<compile_context>
chip_gen: v7x
topology: tpu7x:2x2x1
jax: 0.10.2.dev20260603
libtpu: 0.0.44.dev20260713+nightly
codegen_flags: <defaults>
</compile_context>

<pallas_src>
import functools

import jax
import jax.numpy as jnp
from jax import lax
from jax.experimental import pallas as pl
from jax.experimental.pallas import tpu as pltpu
from jax.experimental.pallas import tpu_sc as plsc

VOCAB = 1000000
D = 64
HIST = 200
BATCH = 4096
B = BATCH * HIST
NC, NS = 2, 16
NW = NC * NS
B_PER_W = B // NW
CH = 128
NBUF = 8
N_CH = B_PER_W // CH
NG = N_CH // NBUF

_mesh = plsc.VectorSubcoreMesh(
    core_axis_name="c", subcore_axis_name="s", num_cores=NC, num_subcores=NS
)


@functools.partial(
    pl.kernel,
    out_type=jax.ShapeDtypeStruct((HIST, BATCH, D), jnp.float32),
    mesh=_mesh,
    compiler_params=pltpu.CompilerParams(use_tc_tiling_on_sc=False),
    scratch_types=[
        pltpu.VMEM((B_PER_W,), jnp.int32),
        pltpu.VMEM((NBUF, CH, D), jnp.float32),
    ]
    + [pltpu.SemaphoreType.DMA] * NBUF
    + [pltpu.SemaphoreType.DMA] * NBUF,
)
def _embed_sc(x_hbm, table_hbm, out_hbm, idx_v, rows_v, *sems):
    gsems = sems[:NBUF]
    osems = sems[NBUF:]
    wid = lax.axis_index("s") * NC + lax.axis_index("c")
    base = pl.multiple_of(wid * B_PER_W, B_PER_W)

    pltpu.sync_copy(x_hbm.at[pl.ds(base, B_PER_W)], idx_v)

    def out_dst(c):
        off = base + c * CH
        t = off // BATCH
        b0 = pl.multiple_of(off - t * BATCH, CH)
        return out_hbm.at[t, pl.ds(b0, CH)]

    def group(g, _):
        for bf in range(NBUF):
            c = g * NBUF + bf

            @pl.when(g > 0)
            def _drain():
                pltpu.make_async_copy(
                    rows_v.at[bf], out_dst(c - NBUF), osems[bf]
                ).wait()

            pltpu.make_async_copy(
                table_hbm.at[idx_v.at[pl.ds(c * CH, CH)]],
                rows_v.at[bf],
                gsems[bf],
            ).start()

        for bf in range(NBUF):
            c = g * NBUF + bf
            pltpu.make_async_copy(
                table_hbm.at[idx_v.at[pl.ds(c * CH, CH)]],
                rows_v.at[bf],
                gsems[bf],
            ).wait()
            pltpu.make_async_copy(
                rows_v.at[bf], out_dst(c), osems[bf]
            ).start()
        return _

    lax.fori_loop(0, NG, group, 0)

    for bf in range(NBUF):
        c = (NG - 1) * NBUF + bf
        pltpu.make_async_copy(rows_v.at[bf], out_dst(c), osems[bf]).wait()


@jax.jit
def kernel(x, table):
    xt = jnp.swapaxes(x, 0, 1).reshape(-1)
    out = _embed_sc(xt, table)
    return jnp.swapaxes(out, 0, 1)

# --- scband reference (transcript-rebuilt; emitter-appended) ---
"""Pipeline reference for scband-token-embedding-29368986370188 (READ-ONLY COPY).

The authoritative reference and input builder live on the scoring server;
editing this copy changes nothing except your own understanding.
"""

import jax, jax.numpy as jnp
import numpy as np

VOCAB_SIZE = 1000000
EMBED_DIM = 64
BATCH = 4096
HIST_LEN = 200

def setup_inputs(seed: int = 0) -> dict:
    key = jax.random.key(seed)
    k_idx, k_tab = jax.random.split(key)
    x = jax.random.randint(k_idx, (BATCH, HIST_LEN), 0, VOCAB_SIZE, dtype=jnp.int64 if jax.config.jax_enable_x64 else jnp.int32)
    table = jax.random.normal(k_tab, (VOCAB_SIZE, EMBED_DIM), dtype=jnp.float32) * 0.05
    return {"x": x, "table": table}

def reference(x, table):
    # Faithful translation of TokenEmbedding.call: embedding gather
    out = jnp.take(table, x, axis=0)
    return out

if __name__ == "__main__":
    import jax
    _d = setup_inputs()
    print(jax.jit(kernel)(*tuple(_d.values())))

</pallas_src>

<mosaic_0001>
#map = affine_map<(d0, d1) -> (0)>
#map1 = affine_map<(d0, d1) -> (0, 0)>
#map2 = affine_map<(d0, d1) -> (0, 0, 0)>
module attributes {stable_mosaic.version = 14 : i64} {
  func.func @_embed_sc(%arg0: i32, %arg1: i32, %arg2: memref<819200xi32, #tpu.memory_space<hbm>>, %arg3: memref<1000000x64xf32, #tpu.memory_space<hbm>>, %arg4: memref<200x4096x64xf32, #tpu.memory_space<hbm>>, %arg5: memref<25600xi32, #tpu.memory_space<vmem>>, %arg6: memref<8x128x64xf32, #tpu.memory_space<vmem>>, %arg7: memref<!tpu.dma_semaphore, #tpu.memory_space<semaphore_mem>>, %arg8: memref<!tpu.dma_semaphore, #tpu.memory_space<semaphore_mem>>, %arg9: memref<!tpu.dma_semaphore, #tpu.memory_space<semaphore_mem>>, %arg10: memref<!tpu.dma_semaphore, #tpu.memory_space<semaphore_mem>>, %arg11: memref<!tpu.dma_semaphore, #tpu.memory_space<semaphore_mem>>, %arg12: memref<!tpu.dma_semaphore, #tpu.memory_space<semaphore_mem>>, %arg13: memref<!tpu.dma_semaphore, #tpu.memory_space<semaphore_mem>>, %arg14: memref<!tpu.dma_semaphore, #tpu.memory_space<semaphore_mem>>, %arg15: memref<!tpu.dma_semaphore, #tpu.memory_space<semaphore_mem>>, %arg16: memref<!tpu.dma_semaphore, #tpu.memory_space<semaphore_mem>>, %arg17: memref<!tpu.dma_semaphore, #tpu.memory_space<semaphore_mem>>, %arg18: memref<!tpu.dma_semaphore, #tpu.memory_space<semaphore_mem>>, %arg19: memref<!tpu.dma_semaphore, #tpu.memory_space<semaphore_mem>>, %arg20: memref<!tpu.dma_semaphore, #tpu.memory_space<semaphore_mem>>, %arg21: memref<!tpu.dma_semaphore, #tpu.memory_space<semaphore_mem>>, %arg22: memref<!tpu.dma_semaphore, #tpu.memory_space<semaphore_mem>>) attributes {dimension_semantics = [#tpu.dimension_semantics<core_parallel>, #tpu.dimension_semantics<subcore_parallel>], iteration_bounds = array<i64: 2, 16>, scalar_prefetch = 0 : i64, scratch_operands = 18 : i64, tpu.core_type = #tpu.core_type<sc_vector_subcore>, window_params = [{transform_indices = #map}, {transform_indices = #map1}, {transform_indices = #map2}]} {
    %mul3A = arith.constant 2 : i32
    %mul3A_0 = arith.muli %arg1, %mul3A : i32
    %add3A = arith.addi %mul3A_0, %arg0 : i32
    %mul3A_1 = arith.constant 25600 : i32
    %mul3A_2 = arith.muli %add3A, %mul3A_1 : i32
    %multiple_of3A = tpu.assume_multiple %mul3A_2, 25600 : i32
    "tpu.region"() ({
      %run_scoped3A = tpu.sem_alloc : memref<!tpu.dma_semaphore, #tpu.memory_space<semaphore_mem>>
      %dma_start3A = tpu.memref_slice %arg2[%multiple_of3A] : memref<819200xi32, #tpu.memory_space<hbm>> -> memref<25600xi32, #tpu.memory_space<hbm>>
      %dma_start3A_359 = tpu.memref_slice %arg2[%multiple_of3A] : memref<819200xi32, #tpu.memory_space<hbm>> -> memref<25600xi32, #tpu.memory_space<hbm>>
      tpu.enqueue_dma source(%dma_start3A_359 : memref<25600xi32, #tpu.memory_space<hbm>>) target(%arg5 : memref<25600xi32, #tpu.memory_space<vmem>>) target_semaphore(%run_scoped3A : memref<!tpu.dma_semaphore, #tpu.memory_space<semaphore_mem>>)
      %dma_wait3A_360 = tpu.memref_slice %arg2[%multiple_of3A] : memref<819200xi32, #tpu.memory_space<hbm>> -> memref<25600xi32, #tpu.memory_space<hbm>>
      %dma_wait3A_361 = tpu.memref_slice %arg2[%multiple_of3A] : memref<819200xi32, #tpu.memory_space<hbm>> -> memref<25600xi32, #tpu.memory_space<hbm>>
      tpu.wait_dma2 semaphore(%run_scoped3A : memref<!tpu.dma_semaphore, #tpu.memory_space<semaphore_mem>>) src(%dma_wait3A_361 : memref<25600xi32, #tpu.memory_space<hbm>>) dst(%arg5 : memref<25600xi32, #tpu.memory_space<vmem>>)
      tpu.yield
    }) : () -> ()
    %scan3A = arith.constant 0 : i32
    %scan3A_3 = arith.constant 0 : i32
    %scan3A_4 = arith.constant 25 : i32
    %scan3A_5 = arith.addi %scan3A_3, %scan3A_4 : i32
    %scan3A_6 = arith.constant 1 : i32
    scf.for %scan3A_359 = %scan3A_3 to %scan3A_5 step %scan3A_6  : i32 {
      %mul3A_360 = arith.constant 8 : i32
      %mul3A_361 = arith.muli %scan3A_359, %mul3A_360 : i32
      %add3A_362 = arith.constant 0 : i32
      %add3A_363 = arith.addi %mul3A_361, %add3A_362 : i32
      %gt3A = arith.constant 0 : i32
      %gt3A_364 = arith.cmpi sgt, %scan3A_359, %gt3A : i32
      %convert_element_type3A = arith.extui %gt3A_364 : i1 to i32
      %cond3A = arith.constant 0 : i32
      %cond3A_365 = arith.cmpi ne, %convert_element_type3A, %cond3A : i32
      scf.if %cond3A_365 {
        %sub3A_1004 = arith.constant 8 : i32
        %sub3A_1005 = arith.subi %add3A_363, %sub3A_1004 : i32
        %mul3A_1006 = arith.constant 128 : i32
        %mul3A_1007 = arith.muli %sub3A_1005, %mul3A_1006 : i32
        %add3A_1008 = arith.addi %multiple_of3A, %mul3A_1007 : i32
        %jit3A_1009 = arith.constant 4096 : i32
        %div3A_1010 = arith.divsi %add3A_1008, %jit3A_1009 : i32
        %sign3A_1011 = arith.constant 0 : i32
        %sign3A_1012 = arith.cmpi sgt, %add3A_1008, %sign3A_1011 : i32
        %sign3A_1013 = arith.extui %sign3A_1012 : i1 to i32
        %sign3A_1014 = arith.constant 0 : i32
        %sign3A_1015 = arith.cmpi slt, %add3A_1008, %sign3A_1014 : i32
        %sign3A_1016 = arith.extui %sign3A_1015 : i1 to i32
        %sign3A_1017 = arith.subi %sign3A_1013, %sign3A_1016 : i32
        %sign3A_1018 = arith.constant 0 : i32
        %sign3A_1019 = arith.cmpi sgt, %jit3A_1009, %sign3A_1018 : i32
        %sign3A_1020 = arith.extui %sign3A_1019 : i1 to i32
        %sign3A_1021 = arith.constant 0 : i32
        %sign3A_1022 = arith.cmpi slt, %jit3A_1009, %sign3A_1021 : i32
        %sign3A_1023 = arith.extui %sign3A_1022 : i1 to i32
        %sign3A_1024 = arith.subi %sign3A_1020, %sign3A_1023 : i32
        %ne3A_1025 = arith.cmpi ne, %sign3A_1017, %sign3A_1024 : i32
        %rem3A_1026 = arith.remsi %add3A_1008, %jit3A_1009 : i32
        %ne3A_1027 = arith.constant 0 : i32
        %ne3A_1028 = arith.cmpi ne, %rem3A_1026, %ne3A_1027 : i32
        %and3A_1029 = arith.andi %ne3A_1025, %ne3A_1028 : i1
        %sub3A_1030 = arith.constant 1 : i32
        %sub3A_1031 = arith.subi %div3A_1010, %sub3A_1030 : i32
        %select_n3A_1032 = arith.select %and3A_1029, %sub3A_1031, %div3A_1010 : i32
        %mul3A_1033 = arith.constant 4096 : i32
        %mul3A_1034 = arith.muli %select_n3A_1032, %mul3A_1033 : i32
        %sub3A_1035 = arith.subi %add3A_1008, %mul3A_1034 : i32
        %multiple_of3A_1036 = tpu.assume_multiple %sub3A_1035, 128 : i32
        %dma_wait3A_1037 = arith.constant 0 : i32
        %dma_wait3A_1038 = arith.constant 0 : i32
        %dma_wait3A_1039 = arith.constant 0 : i32
        %dma_wait3A_1040 = tpu.memref_slice %arg6[%dma_wait3A_1037, %dma_wait3A_1038, %dma_wait3A_1039] : memref<8x128x64xf32, #tpu.memory_space<vmem>> -> memref<1x128x64xf32, #tpu.memory_space<vmem>>
        %dma_wait3A_1041 = tpu.memref_squeeze %dma_wait3A_1040 : memref<1x128x64xf32, #tpu.memory_space<vmem>> -> memref<128x64xf32, #tpu.memory_space<vmem>>
        %dma_wait3A_1042 = arith.constant 0 : i32
        %dma_wait3A_1043 = tpu.memref_slice %arg4[%select_n3A_1032, %multiple_of3A_1036, %dma_wait3A_1042] : memref<200x4096x64xf32, #tpu.memory_space<hbm>> -> memref<1x128x64xf32, #tpu.memory_space<hbm>>
        %dma_wait3A_1044 = tpu.memref_squeeze %dma_wait3A_1043 : memref<1x128x64xf32, #tpu.memory_space<hbm>> -> memref<128x64xf32, #tpu.memory_space<hbm>>
        %dma_wait3A_1045 = arith.constant 0 : i32
        %dma_wait3A_1046 = tpu.memref_slice %arg4[%select_n3A_1032, %multiple_of3A_1036, %dma_wait3A_1045] : memref<200x4096x64xf32, #tpu.memory_space<hbm>> -> memref<1x128x64xf32, #tpu.memory_space<hbm>>
        %dma_wait3A_1047 = tpu.memref_squeeze %dma_wait3A_1046 : memref<1x128x64xf32, #tpu.memory_space<hbm>> -> memref<128x64xf32, #tpu.memory_space<hbm>>
        %dma_wait3A_1048 = arith.constant 0 : i32
        %dma_wait3A_1049 = arith.constant 0 : i32
        %dma_wait3A_1050 = tpu.memref_slice %arg6[%dma_wait3A_1037, %dma_wait3A_1048, %dma_wait3A_1049] : memref<8x128x64xf32, #tpu.memory_space<vmem>> -> memref<1x128x64xf32, #tpu.memory_space<vmem>>
        %dma_wait3A_1051 = tpu.memref_squeeze %dma_wait3A_1050 : memref<1x128x64xf32, #tpu.memory_space<vmem>> -> memref<128x64xf32, #tpu.memory_space<vmem>>
        tpu.wait_dma2 semaphore(%arg15 : memref<!tpu.dma_semaphore, #tpu.memory_space<semaphore_mem>>) src(%dma_wait3A_1051 : memref<128x64xf32, #tpu.memory_space<vmem>>) dst(%dma_wait3A_1047 : memref<128x64xf32, #tpu.memory_space<hbm>>)
      } else {
      }
      %mul3A_366 = arith.constant 128 : i32
      %mul3A_367 = arith.muli %add3A_363, %mul3A_366 : i32
      %dma_start3A = arith.constant 0 : i32
      %dma_start3A_368 = arith.constant 0 : i32
      %dma_start3A_369 = arith.constant 0 : i32
      %dma_start3A_370 = tpu.memref_slice %arg6[%dma_start3A, %dma_start3A_368, %dma_start3A_369] : memref<8x128x64xf32, #tpu.memory_space<vmem>> -> memref<1x128x64xf32, #tpu.memory_space<vmem>>
      %dma_start3A_371 = tpu.memref_squeeze %dma_start3A_370 : memref<1x128x64xf32, #tpu.memory_space<vmem>> -> memref<128x64xf32, #tpu.memory_space<vmem>>
      %dma_start3A_372 = tpu.memref_slice %arg5[%mul3A_367] : memref<25600xi32, #tpu.memory_space<vmem>> -> memref<128xi32, #tpu.memory_space<vmem>>
      %dma_start3A_373 = arith.constant 0 : i32
      %dma_start3A_374 = arith.constant 0 : i32
      %dma_start3A_375 = tpu.memref_slice %arg3[%dma_start3A_373, %dma_start3A_374] : memref<1000000x64xf32, #tpu.memory_space<hbm>> -> memref<1000000x64xf32, #tpu.memory_space<hbm>>
      tpu.enqueue_indirect_dma source(%dma_start3A_375 : memref<1000000x64xf32, #tpu.memory_space<hbm>>) target(%dma_start3A_371 : memref<128x64xf32, #tpu.memory_space<vmem>>) offsets(%dma_start3A_372 : memref<128xi32, #tpu.memory_space<vmem>>) semaphore(%arg7 : memref<!tpu.dma_semaphore, #tpu.memory_space<semaphore_mem>>)
      %mul3A_376 = arith.constant 8 : i32
      %mul3A_377 = arith.muli %scan3A_359, %mul3A_376 : i32
      %add3A_378 = arith.constant 1 : i32
      %add3A_379 = arith.addi %mul3A_377, %add3A_378 : i32
      %gt3A_380 = arith.constant 0 : i32
      %gt3A_381 = arith.cmpi sgt, %scan3A_359, %gt3A_380 : i32
      %convert_element_type3A_382 = arith.extui %gt3A_381 : i1 to i32
      %cond3A_383 = arith.constant 0 : i32
      %cond3A_384 = arith.cmpi ne, %convert_element_type3A_382, %cond3A_383 : i32
      scf.if %cond3A_384 {
        %sub3A_1004 = arith.constant 8 : i32
        %sub3A_1005 = arith.subi %add3A_379, %sub3A_1004 : i32
        %mul3A_1006 = arith.constant 128 : i32
        %mul3A_1007 = arith.muli %sub3A_1005, %mul3A_1006 : i32
        %add3A_1008 = arith.addi %multiple_of3A, %mul3A_1007 : i32
        %jit3A_1009 = arith.constant 4096 : i32
        %div3A_1010 = arith.divsi %add3A_1008, %jit3A_1009 : i32
        %sign3A_1011 = arith.constant 0 : i32
        %sign3A_1012 = arith.cmpi sgt, %add3A_1008, %sign3A_1011 : i32
        %sign3A_1013 = arith.extui %sign3A_1012 : i1 to i32
        %sign3A_1014 = arith.constant 0 : i32
        %sign3A_1015 = arith.cmpi slt, %add3A_1008, %sign3A_1014 : i32
        %sign3A_1016 = arith.extui %sign3A_1015 : i1 to i32
        %sign3A_1017 = arith.subi %sign3A_1013, %sign3A_1016 : i32
        %sign3A_1018 = arith.constant 0 : i32
        %sign3A_1019 = arith.cmpi sgt, %jit3A_1009, %sign3A_1018 : i32
        %sign3A_1020 = arith.extui %sign3A_1019 : i1 to i32
        %sign3A_1021 = arith.constant 0 : i32
        %sign3A_1022 = arith.cmpi slt, %jit3A_1009, %sign3A_1021 : i32
        %sign3A_1023 = arith.extui %sign3A_1022 : i1 to i32
        %sign3A_1024 = arith.subi %sign3A_1020, %sign3A_1023 : i32
        %ne3A_1025 = arith.cmpi ne, %sign3A_1017, %sign3A_1024 : i32
        %rem3A_1026 = arith.remsi %add3A_1008, %jit3A_1009 : i32
        %ne3A_1027 = arith.constant 0 : i32
        %ne3A_1028 = arith.cmpi ne, %rem3A_1026, %ne3A_1027 : i32
        %and3A_1029 = arith.andi %ne3A_1025, %ne3A_1028 : i1
        %sub3A_1030 = arith.constant 1 : i32
        %sub3A_1031 = arith.subi %div3A_1010, %sub3A_1030 : i32
        %select_n3A_1032 = arith.select %and3A_1029, %sub3A_1031, %div3A_1010 : i32
        %mul3A_1033 = arith.constant 4096 : i32
        %mul3A_1034 = arith.muli %select_n3A_1032, %mul3A_1033 : i32
        %sub3A_1035 = arith.subi %add3A_1008, %mul3A_1034 : i32
        %multiple_of3A_1036 = tpu.assume_multiple %sub3A_1035, 128 : i32
        %dma_wait3A_1037 = arith.constant 1 : i32
        %dma_wait3A_1038 = arith.constant 0 : i32
        %dma_wait3A_1039 = arith.constant 0 : i32
        %dma_wait3A_1040 = tpu.memref_slice %arg6[%dma_wait3A_1037, %dma_wait3A_1038, %dma_wait3A_1039] : memref<8x128x64xf32, #tpu.memory_space<vmem>> -> memref<1x128x64xf32, #tpu.memory_space<vmem>>
        %dma_wait3A_1041 = tpu.memref_squeeze %dma_wait3A_1040 : memref<1x128x64xf32, #tpu.memory_space<vmem>> -> memref<128x64xf32, #tpu.memory_space<vmem>>
        %dma_wait3A_1042 = arith.constant 0 : i32
        %dma_wait3A_1043 = tpu.memref_slice %arg4[%select_n3A_1032, %multiple_of3A_1036, %dma_wait3A_1042] : memref<200x4096x64xf32, #tpu.memory_space<hbm>> -> memref<1x128x64xf32, #tpu.memory_space<hbm>>
        %dma_wait3A_1044 = tpu.memref_squeeze %dma_wait3A_1043 : memref<1x128x64xf32, #tpu.memory_space<hbm>> -> memref<128x64xf32, #tpu.memory_space<hbm>>
        %dma_wait3A_1045 = arith.constant 0 : i32
        %dma_wait3A_1046 = tpu.memref_slice %arg4[%select_n3A_1032, %multiple_of3A_1036, %dma_wait3A_1045] : memref<200x4096x64xf32, #tpu.memory_space<hbm>> -> memref<1x128x64xf32, #tpu.memory_space<hbm>>
        %dma_wait3A_1047 = tpu.memref_squeeze %dma_wait3A_1046 : memref<1x128x64xf32, #tpu.memory_space<hbm>> -> memref<128x64xf32, #tpu.memory_space<hbm>>
        %dma_wait3A_1048 = arith.constant 0 : i32
        %dma_wait3A_1049 = arith.constant 0 : i32
        %dma_wait3A_1050 = tpu.memref_slice %arg6[%dma_wait3A_1037, %dma_wait3A_1048, %dma_wait3A_1049] : memref<8x128x64xf32, #tpu.memory_space<vmem>> -> memref<1x128x64xf32, #tpu.memory_space<vmem>>
        %dma_wait3A_1051 = tpu.memref_squeeze %dma_wait3A_1050 : memref<1x128x64xf32, #tpu.memory_space<vmem>> -> memref<128x64xf32, #tpu.memory_space<vmem>>
        tpu.wait_dma2 semaphore(%arg16 : memref<!tpu.dma_semaphore, #tpu.memory_space<semaphore_mem>>) src(%dma_wait3A_1051 : memref<128x64xf32, #tpu.memory_space<vmem>>) dst(%dma_wait3A_1047 : memref<128x64xf32, #tpu.memory_space<hbm>>)
      } else {
      }
      %mul3A_385 = arith.constant 128 : i32
      %mul3A_386 = arith.muli %add3A_379, %mul3A_385 : i32
      %dma_start3A_387 = arith.constant 1 : i32
      %dma_start3A_388 = arith.constant 0 : i32
      %dma_start3A_389 = arith.constant 0 : i32
      %dma_start3A_390 = tpu.memref_slice %arg6[%dma_start3A_387, %dma_start3A_388, %dma_start3A_389] : memref<8x128x64xf32, #tpu.memory_space<vmem>> -> memref<1x128x64xf32, #tpu.memory_space<vmem>>
      %dma_start3A_391 = tpu.memref_squeeze %dma_start3A_390 : memref<1x128x64xf32, #tpu.memory_space<vmem>> -> memref<128x64xf32, #tpu.memory_space<vmem>>
      %dma_start3A_392 = tpu.memref_slice %arg5[%mul3A_386] : memref<25600xi32, #tpu.memory_space<vmem>> -> memref<128xi32, #tpu.memory_space<vmem>>
      %dma_start3A_393 = arith.constant 0 : i32
      %dma_start3A_394 = arith.constant 0 : i32
      %dma_start3A_395 = tpu.memref_slice %arg3[%dma_start3A_393, %dma_start3A_394] : memref<1000000x64xf32, #tpu.memory_space<hbm>> -> memref<1000000x64xf32, #tpu.memory_space<hbm>>
      tpu.enqueue_indirect_dma source(%dma_start3A_395 : memref<1000000x64xf32, #tpu.memory_space<hbm>>) target(%dma_start3A_391 : memref<128x64xf32, #tpu.memory_space<vmem>>) offsets(%dma_start3A_392 : memref<128xi32, #tpu.memory_space<vmem>>) semaphore(%arg8 : memref<!tpu.dma_semaphore, #tpu.memory_space<semaphore_mem>>)
      %mul3A_396 = arith.constant 8 : i32
      %mul3A_397 = arith.muli %scan3A_359, %mul3A_396 : i32
      %add3A_398 = arith.constant 2 : i32
      %add3A_399 = arith.addi %mul3A_397, %add3A_398 : i32
      %gt3A_400 = arith.constant 0 : i32
      %gt3A_401 = arith.cmpi sgt, %scan3A_359, %gt3A_400 : i32
      %convert_element_type3A_402 = arith.extui %gt3A_401 : i1 to i32
      %cond3A_403 = arith.constant 0 : i32
      %cond3A_404 = arith.cmpi ne, %convert_element_type3A_402, %cond3A_403 : i32
      scf.if %cond3A_404 {
        %sub3A_1004 = arith.constant 8 : i32
        %sub3A_1005 = arith.subi %add3A_399, %sub3A_1004 : i32
        %mul3A_1006 = arith.constant 128 : i32
        %mul3A_1007 = arith.muli %sub3A_1005, %mul3A_1006 : i32
        %add3A_1008 = arith.addi %multiple_of3A, %mul3A_1007 : i32
        %jit3A_1009 = arith.constant 4096 : i32
        %div3A_1010 = arith.divsi %add3A_1008, %jit3A_1009 : i32
        %sign3A_1011 = arith.constant 0 : i32
        %sign3A_1012 = arith.cmpi sgt, %add3A_1008, %sign3A_1011 : i32
        %sign3A_1013 = arith.extui %sign3A_1012 : i1 to i32
        %sign3A_1014 = arith.constant 0 : i32
        %sign3A_1015 = arith.cmpi slt, %add3A_1008, %sign3A_1014 : i32
        %sign3A_1016 = arith.extui %sign3A_1015 : i1 to i32
        %sign3A_1017 = arith.subi %sign3A_1013, %sign3A_1016 : i32
        %sign3A_1018 = arith.constant 0 : i32
        %sign3A_1019 = arith.cmpi sgt, %jit3A_1009, %sign3A_1018 : i32
        %sign3A_1020 = arith.extui %sign3A_1019 : i1 to i32
        %sign3A_1021 = arith.constant 0 : i32
        %sign3A_1022 = arith.cmpi slt, %jit3A_1009, %sign3A_1021 : i32
        %sign3A_1023 = arith.extui %sign3A_1022 : i1 to i32
        %sign3A_1024 = arith.subi %sign3A_1020, %sign3A_1023 : i32
        %ne3A_1025 = arith.cmpi ne, %sign3A_1017, %sign3A_1024 : i32
        %rem3A_1026 = arith.remsi %add3A_1008, %jit3A_1009 : i32
        %ne3A_1027 = arith.constant 0 : i32
        %ne3A_1028 = arith.cmpi ne, %rem3A_1026, %ne3A_1027 : i32
        %and3A_1029 = arith.andi %ne3A_1025, %ne3A_1028 : i1
        %sub3A_1030 = arith.constant 1 : i32
        %sub3A_1031 = arith.subi %div3A_1010, %sub3A_1030 : i32
        %select_n3A_1032 = arith.select %and3A_1029, %sub3A_1031, %div3A_1010 : i32
        %mul3A_1033 = arith.constant 4096 : i32
        %mul3A_1034 = arith.muli %select_n3A_1032, %mul3A_1033 : i32
        %sub3A_1035 = arith.subi %add3A_1008, %mul3A_1034 : i32
        %multiple_of3A_1036 = tpu.assume_multiple %sub3A_1035, 128 : i32
        %dma_wait3A_1037 = arith.constant 2 : i32
        %dma_wait3A_1038 = arith.constant 0 : i32
        %dma_wait3A_1039 = arith.constant 0 : i32
        %dma_wait3A_1040 = tpu.memref_slice %arg6[%dma_wait3A_1037, %dma_wait3A_1038, %dma_wait3A_1039] : memref<8x128x64xf32, #tpu.memory_space<vmem>> -> memref<1x128x64xf32, #tpu.memory_space<vmem>>
        %dma_wait3A_1041 = tpu.memref_squeeze %dma_wait3A_1040 : memref<1x128x64xf32, #tpu.memory_space<vmem>> -> memref<128x64xf32, #tpu.memory_space<vmem>>
        %dma_wait3A_1042 = arith.constant 0 : i32
        %dma_wait3A_1043 = tpu.memref_slice %arg4[%select_n3A_1032, %multiple_of3A_1036, %dma_wait3A_1042] : memref<200x4096x64xf32, #tpu.memory_space<hbm>> -> memref<1x128x64xf32, #tpu.memory_space<hbm>>
        %dma_wait3A_1044 = tpu.memref_squeeze %dma_wait3A_1043 : memref<1x128x64xf32, #tpu.memory_space<hbm>> -> memref<128x64xf32, #tpu.memory_space<hbm>>
        %dma_wait3A_1045 = arith.constant 0 : i32
        %dma_wait3A_1046 = tpu.memref_slice %arg4[%select_n3A_1032, %multiple_of3A_1036, %dma_wait3A_1045] : memref<200x4096x64xf32, #tpu.memory_space<hbm>> -> memref<1x128x64xf32, #tpu.memory_space<hbm>>
        %dma_wait3A_1047 = tpu.memref_squeeze %dma_wait3A_1046 : memref<1x128x64xf32, #tpu.memory_space<hbm>> -> memref<128x64xf32, #tpu.memory_space<hbm>>
        %dma_wait3A_1048 = arith.constant 0 : i32
        %dma_wait3A_1049 = arith.constant 0 : i32
        %dma_wait3A_1050 = tpu.memref_slice %arg6[%dma_wait3A_1037, %dma_wait3A_1048, %dma_wait3A_1049] : memref<8x128x64xf32, #tpu.memory_space<vmem>> -> memref<1x128x64xf32, #tpu.memory_space<vmem>>
        %dma_wait3A_1051 = tpu.memref_squeeze %dma_wait3A_1050 : memref<1x128x64xf32, #tpu.memory_space<vmem>> -> memref<128x64xf32, #tpu.memory_space<vmem>>
        tpu.wait_dma2 semaphore(%arg17 : memref<!tpu.dma_semaphore, #tpu.memory_space<semaphore_mem>>) src(%dma_wait3A_1051 : memref<128x64xf32, #tpu.memory_space<vmem>>) dst(%dma_wait3A_1047 : memref<128x64xf32, #tpu.memory_space<hbm>>)
      } else {
      }
      %mul3A_405 = arith.constant 128 : i32
      %mul3A_406 = arith.muli %add3A_399, %mul3A_405 : i32
      %dma_start3A_407 = arith.constant 2 : i32
      %dma_start3A_408 = arith.constant 0 : i32
      %dma_start3A_409 = arith.constant 0 : i32
      %dma_start3A_410 = tpu.memref_slice %arg6[%dma_start3A_407, %dma_start3A_408, %dma_start3A_409] : memref<8x128x64xf32, #tpu.memory_space<vmem>> -> memref<1x128x64xf32, #tpu.memory_space<vmem>>
      %dma_start3A_411 = tpu.memref_squeeze %dma_start3A_410 : memref<1x128x64xf32, #tpu.memory_space<vmem>> -> memref<128x64xf32, #tpu.memory_space<vmem>>
      %dma_start3A_412 = tpu.memref_slice %arg5[%mul3A_406] : memref<25600xi32, #tpu.memory_space<vmem>> -> memref<128xi32, #tpu.memory_space<vmem>>
      %dma_start3A_413 = arith.constant 0 : i32
      %dma_start3A_414 = arith.constant 0 : i32
      %dma_start3A_415 = tpu.memref_slice %arg3[%dma_start3A_413, %dma_start3A_414] : memref<1000000x64xf32, #tpu.memory_space<hbm>> -> memref<1000000x64xf32, #tpu.memory_space<hbm>>
      tpu.enqueue_indirect_dma source(%dma_start3A_415 : memref<1000000x64xf32, #tpu.memory_space<hbm>>) target(%dma_start3A_411 : memref<128x64xf32, #tpu.memory_space<vmem>>) offsets(%dma_start3A_412 : memref<128xi32, #tpu.memory_space<vmem>>) semaphore(%arg9 : memref<!tpu.dma_semaphore, #tpu.memory_space<semaphore_mem>>)
      %mul3A_416 = arith.constant 8 : i32
      %mul3A_417 = arith.muli %scan3A_359, %mul3A_416 : i32
      %add3A_418 = arith.constant 3 : i32
      %add3A_419 = arith.addi %mul3A_417, %add3A_418 : i32
      %gt3A_420 = arith.constant 0 : i32
      %gt3A_421 = arith.cmpi sgt, %scan3A_359, %gt3A_420 : i32
      %convert_element_type3A_422 = arith.extui %gt3A_421 : i1 to i32
      %cond3A_423 = arith.constant 0 : i32
      %cond3A_424 = arith.cmpi ne, %convert_element_type3A_422, %cond3A_423 : i32
      scf.if %cond3A_424 {
        %sub3A_1004 = arith.constant 8 : i32
        %sub3A_1005 = arith.subi %add3A_419, %sub3A_1004 : i32
        %mul3A_1006 = arith.constant 128 : i32
        %mul3A_1007 = arith.muli %sub3A_1005, %mul3A_1006 : i32
        %add3A_1008 = arith.addi %multiple_of3A, %mul3A_1007 : i32
        %jit3A_1009 = arith.constant 4096 : i32
        %div3A_1010 = arith.divsi %add3A_1008, %jit3A_1009 : i32
        %sign3A_1011 = arith.constant 0 : i32
        %sign3A_1012 = arith.cmpi sgt, %add3A_1008, %sign3A_1011 : i32
        %sign3A_1013 = arith.extui %sign3A_1012 : i1 to i32
        %sign3A_1014 = arith.constant 0 : i32
        %sign3A_1015 = arith.cmpi slt, %add3A_1008, %sign3A_1014 : i32
        %sign3A_1016 = arith.extui %sign3A_1015 : i1 to i32
        %sign3A_1017 = arith.subi %sign3A_1013, %sign3A_1016 : i32
        %sign3A_1018 = arith.constant 0 : i32
        %sign3A_1019 = arith.cmpi sgt, %jit3A_1009, %sign3A_1018 : i32
        %sign3A_1020 = arith.extui %sign3A_1019 : i1 to i32
        %sign3A_1021 = arith.constant 0 : i32
        %sign3A_1022 = arith.cmpi slt, %jit3A_1009, %sign3A_1021 : i32
        %sign3A_1023 = arith.extui %sign3A_1022 : i1 to i32
        %sign3A_1024 = arith.subi %sign3A_1020, %sign3A_1023 : i32
        %ne3A_1025 = arith.cmpi ne, %sign3A_1017, %sign3A_1024 : i32
        %rem3A_1026 = arith.remsi %add3A_1008, %jit3A_1009 : i32
        %ne3A_1027 = arith.constant 0 : i32
        %ne3A_1028 = arith.cmpi ne, %rem3A_1026, %ne3A_1027 : i32
        %and3A_1029 = arith.andi %ne3A_1025, %ne3A_1028 : i1
        %sub3A_1030 = arith.constant 1 : i32
        %sub3A_1031 = arith.subi %div3A_1010, %sub3A_1030 : i32
        %select_n3A_1032 = arith.select %and3A_1029, %sub3A_1031, %div3A_1010 : i32
        %mul3A_1033 = arith.constant 4096 : i32
        %mul3A_1034 = arith.muli %select_n3A_1032, %mul3A_1033 : i32
        %sub3A_1035 = arith.subi %add3A_1008, %mul3A_1034 : i32
        %multiple_of3A_1036 = tpu.assume_multiple %sub3A_1035, 128 : i32
        %dma_wait3A_1037 = arith.constant 3 : i32
        %dma_wait3A_1038 = arith.constant 0 : i32
        %dma_wait3A_1039 = arith.constant 0 : i32
        %dma_wait3A_1040 = tpu.memref_slice %arg6[%dma_wait3A_1037, %dma_wait3A_1038, %dma_wait3A_1039] : memref<8x128x64xf32, #tpu.memory_space<vmem>> -> memref<1x128x64xf32, #tpu.memory_space<vmem>>
        %dma_wait3A_1041 = tpu.memref_squeeze %dma_wait3A_1040 : memref<1x128x64xf32, #tpu.memory_space<vmem>> -> memref<128x64xf32, #tpu.memory_space<vmem>>
        %dma_wait3A_1042 = arith.constant 0 : i32
        %dma_wait3A_1043 = tpu.memref_slice %arg4[%select_n3A_1032, %multiple_of3A_1036, %dma_wait3A_1042] : memref<200x4096x64xf32, #tpu.memory_space<hbm>> -> memref<1x128x64xf32, #tpu.memory_space<hbm>>
        %dma_wait3A_1044 = tpu.memref_squeeze %dma_wait3A_1043 : memref<1x128x64xf32, #tpu.memory_space<hbm>> -> memref<128x64xf32, #tpu.memory_space<hbm>>
        %dma_wait3A_1045 = arith.constant 0 : i32
        %dma_wait3A_1046 = tpu.memref_slice %arg4[%select_n3A_1032, %multiple_of3A_1036, %dma_wait3A_1045] : memref<200x4096x64xf32, #tpu.memory_space<hbm>> -> memref<1x128x64xf32, #tpu.memory_space<hbm>>
        %dma_wait3A_1047 = tpu.memref_squeeze %dma_wait3A_1046 : memref<1x128x64xf32, #tpu.memory_space<hbm>> -> memref<128x64xf32, #tpu.memory_space<hbm>>
        %dma_wait3A_1048 = arith.constant 0 : i32
        %dma_wait3A_1049 = arith.constant 0 : i32
        %dma_wait3A_1050 = tpu.memref_slice %arg6[%dma_wait3A_1037, %dma_wait3A_1048, %dma_wait3A_1049] : memref<8x128x64xf32, #tpu.memory_space<vmem>> -> memref<1x128x64xf32, #tpu.memory_space<vmem>>
        %dma_wait3A_1051 = tpu.memref_squeeze %dma_wait3A_1050 : memref<1x128x64xf32, #tpu.memory_space<vmem>> -> memref<128x64xf32, #tpu.memory_space<vmem>>
        tpu.wait_dma2 semaphore(%arg18 : memref<!tpu.dma_semaphore, #tpu.memory_space<semaphore_mem>>) src(%dma_wait3A_1051 : memref<128x64xf32, #tpu.memory_space<vmem>>) dst(%dma_wait3A_1047 : memref<128x64xf32, #tpu.memory_space<hbm>>)
      } else {
      }
      %mul3A_425 = arith.constant 128 : i32
      %mul3A_426 = arith.muli %add3A_419, %mul3A_425 : i32
      %dma_start3A_427 = arith.constant 3 : i32
      %dma_start3A_428 = arith.constant 0 : i32
      %dma_start3A_429 = arith.constant 0 : i32
      %dma_start3A_430 = tpu.memref_slice %arg6[%dma_start3A_427, %dma_start3A_428, %dma_start3A_429] : memref<8x128x64xf32, #tpu.memory_space<vmem>> -> memref<1x128x64xf32, #tpu.memory_space<vmem>>
      %dma_start3A_431 = tpu.memref_squeeze %dma_start3A_430 : memref<1x128x64xf32, #tpu.memory_space<vmem>> -> memref<128x64xf32, #tpu.memory_space<vmem>>
      %dma_start3A_432 = tpu.memref_slice %arg5[%mul3A_426] : memref<25600xi32, #tpu.memory_space<vmem>> -> memref<128xi32, #tpu.memory_space<vmem>>
      %dma_start3A_433 = arith.constant 0 : i32
      %dma_start3A_434 = arith.constant 0 : i32
      %dma_start3A_435 = tpu.memref_slice %arg3[%dma_start3A_433, %dma_start3A_434] : memref<1000000x64xf32, #tpu.memory_space<hbm>> -> memref<1000000x64xf32, #tpu.memory_space<hbm>>
      tpu.enqueue_indirect_dma source(%dma_start3A_435 : memref<1000000x64xf32, #tpu.memory_space<hbm>>) target(%dma_start3A_431 : memref<128x64xf32, #tpu.memory_space<vmem>>) offsets(%dma_start3A_432 : memref<128xi32, #tpu.memory_space<vmem>>) semaphore(%arg10 : memref<!tpu.dma_semaphore, #tpu.memory_space<semaphore_mem>>)
      %mul3A_436 = arith.constant 8 : i32
      %mul3A_437 = arith.muli %scan3A_359, %mul3A_436 : i32
      %add3A_438 = arith.constant 4 : i32
      %add3A_439 = arith.addi %mul3A_437, %add3A_438 : i32
      %gt3A_440 = arith.constant 0 : i32
      %gt3A_441 = arith.cmpi sgt, %scan3A_359, %gt3A_440 : i32
      %convert_element_type3A_442 = arith.extui %gt3A_441 : i1 to i32
      %cond3A_443 = arith.constant 0 : i32
      %cond3A_444 = arith.cmpi ne, %convert_element_type3A_442, %cond3A_443 : i32
      scf.if %cond3A_444 {
        %sub3A_1004 = arith.constant 8 : i32
        %sub3A_1005 = arith.subi %add3A_439, %sub3A_1004 : i32
        %mul3A_1006 = arith.constant 128 : i32
        %mul3A_1007 = arith.muli %sub3A_1005, %mul3A_1006 : i32
        %add3A_1008 = arith.addi %multiple_of3A, %mul3A_1007 : i32
        %jit3A_1009 = arith.constant 4096 : i32
        %div3A_1010 = arith.divsi %add3A_1008, %jit3A_1009 : i32
        %sign3A_1011 = arith.constant 0 : i32
        %sign3A_1012 = arith.cmpi sgt, %add3A_1008, %sign3A_1011 : i32
        %sign3A_1013 = arith.extui %sign3A_1012 : i1 to i32
        %sign3A_1014 = arith.constant 0 : i32
        %sign3A_1015 = arith.cmpi slt, %add3A_1008, %sign3A_1014 : i32
        %sign3A_1016 = arith.extui %sign3A_1015 : i1 to i32
        %sign3A_1017 = arith.subi %sign3A_1013, %sign3A_1016 : i32
        %sign3A_1018 = arith.constant 0 : i32
        %sign3A_1019 = arith.cmpi sgt, %jit3A_1009, %sign3A_1018 : i32
        %sign3A_1020 = arith.extui %sign3A_1019 : i1 to i32
        %sign3A_1021 = arith.constant 0 : i32
        %sign3A_1022 = arith.cmpi slt, %jit3A_1009, %sign3A_1021 : i32
        %sign3A_1023 = arith.extui %sign3A_1022 : i1 to i32
        %sign3A_1024 = arith.subi %sign3A_1020, %sign3A_1023 : i32
        %ne3A_1025 = arith.cmpi ne, %sign3A_1017, %sign3A_1024 : i32
        %rem3A_1026 = arith.remsi %add3A_1008, %jit3A_1009 : i32
        %ne3A_1027 = arith.constant 0 : i32
        %ne3A_1028 = arith.cmpi ne, %rem3A_1026, %ne3A_1027 : i32
        %and3A_1029 = arith.andi %ne3A_1025, %ne3A_1028 : i1
        %sub3A_1030 = arith.constant 1 : i32
        %sub3A_1031 = arith.subi %div3A_1010, %sub3A_1030 : i32
        %select_n3A_1032 = arith.select %and3A_1029, %sub3A_1031, %div3A_1010 : i32
        %mul3A_1033 = arith.constant 4096 : i32
        %mul3A_1034 = arith.muli %select_n3A_1032, %mul3A_1033 : i32
        %sub3A_1035 = arith.subi %add3A_1008, %mul3A_1034 : i32
        %multiple_of3A_1036 = tpu.assume_multiple %sub3A_1035, 128 : i32
        %dma_wait3A_1037 = arith.constant 4 : i32
        %dma_wait3A_1038 = arith.constant 0 : i32
        %dma_wait3A_1039 = arith.constant 0 : i32
        %dma_wait3A_1040 = tpu.memref_slice %arg6[%dma_wait3A_1037, %dma_wait3A_1038, %dma_wait3A_1039] : memref<8x128x64xf32, #tpu.memory_space<vmem>> -> memref<1x128x64xf32, #tpu.memory_space<vmem>>
        %dma_wait3A_1041 = tpu.memref_squeeze %dma_wait3A_1040 : memref<1x128x64xf32, #tpu.memory_space<vmem>> -> memref<128x64xf32, #tpu.memory_space<vmem>>
        %dma_wait3A_1042 = arith.constant 0 : i32
        %dma_wait3A_1043 = tpu.memref_slice %arg4[%select_n3A_1032, %multiple_of3A_1036, %dma_wait3A_1042] : memref<200x4096x64xf32, #tpu.memory_space<hbm>> -> memref<1x128x64xf32, #tpu.memory_space<hbm>>
        %dma_wait3A_1044 = tpu.memref_squeeze %dma_wait3A_1043 : memref<1x128x64xf32, #tpu.memory_space<hbm>> -> memref<128x64xf32, #tpu.memory_space<hbm>>
        %dma_wait3A_1045 = arith.constant 0 : i32
        %dma_wait3A_1046 = tpu.memref_slice %arg4[%select_n3A_1032, %multiple_of3A_1036, %dma_wait3A_1045] : memref<200x4096x64xf32, #tpu.memory_space<hbm>> -> memref<1x128x64xf32, #tpu.memory_space<hbm>>
        %dma_wait3A_1047 = tpu.memref_squeeze %dma_wait3A_1046 : memref<1x128x64xf32, #tpu.memory_space<hbm>> -> memref<128x64xf32, #tpu.memory_space<hbm>>
        %dma_wait3A_1048 = arith.constant 0 : i32
        %dma_wait3A_1049 = arith.constant 0 : i32
        %dma_wait3A_1050 = tpu.memref_slice %arg6[%dma_wait3A_1037, %dma_wait3A_1048, %dma_wait3A_1049] : memref<8x128x64xf32, #tpu.memory_space<vmem>> -> memref<1x128x64xf32, #tpu.memory_space<vmem>>
        %dma_wait3A_1051 = tpu.memref_squeeze %dma_wait3A_1050 : memref<1x128x64xf32, #tpu.memory_space<vmem>> -> memref<128x64xf32, #tpu.memory_space<vmem>>
        tpu.wait_dma2 semaphore(%arg19 : memref<!tpu.dma_semaphore, #tpu.memory_space<semaphore_mem>>) src(%dma_wait3A_1051 : memref<128x64xf32, #tpu.memory_space<vmem>>) dst(%dma_wait3A_1047 : memref<128x64xf32, #tpu.memory_space<hbm>>)
      } else {
      }
      %mul3A_445 = arith.constant 128 : i32
      %mul3A_446 = arith.muli %add3A_439, %mul3A_445 : i32
      %dma_start3A_447 = arith.constant 4 : i32
      %dma_start3A_448 = arith.constant 0 : i32
      %dma_start3A_449 = arith.constant 0 : i32
      %dma_start3A_450 = tpu.memref_slice %arg6[%dma_start3A_447, %dma_start3A_448, %dma_start3A_449] : memref<8x128x64xf32, #tpu.memory_space<vmem>> -> memref<1x128x64xf32, #tpu.memory_space<vmem>>
      %dma_start3A_451 = tpu.memref_squeeze %dma_start3A_450 : memref<1x128x64xf32, #tpu.memory_space<vmem>> -> memref<128x64xf32, #tpu.memory_space<vmem>>
      %dma_start3A_452 = tpu.memref_slice %arg5[%mul3A_446] : memref<25600xi32, #tpu.memory_space<vmem>> -> memref<128xi32, #tpu.memory_space<vmem>>
      %dma_start3A_453 = arith.constant 0 : i32
      %dma_start3A_454 = arith.constant 0 : i32
      %dma_start3A_455 = tpu.memref_slice %arg3[%dma_start3A_453, %dma_start3A_454] : memref<1000000x64xf32, #tpu.memory_space<hbm>> -> memref<1000000x64xf32, #tpu.memory_space<hbm>>
      tpu.enqueue_indirect_dma source(%dma_start3A_455 : memref<1000000x64xf32, #tpu.memory_space<hbm>>) target(%dma_start3A_451 : memref<128x64xf32, #tpu.memory_space<vmem>>) offsets(%dma_start3A_452 : memref<128xi32, #tpu.memory_space<vmem>>) semaphore(%arg11 : memref<!tpu.dma_semaphore, #tpu.memory_space<semaphore_mem>>)
      %mul3A_456 = arith.constant 8 : i32
      %mul3A_457 = arith.muli %scan3A_359, %mul3A_456 : i32
      %add3A_458 = arith.constant 5 : i32
      %add3A_459 = arith.addi %mul3A_457, %add3A_458 : i32
      %gt3A_460 = arith.constant 0 : i32
      %gt3A_461 = arith.cmpi sgt, %scan3A_359, %gt3A_460 : i32
      %convert_element_type3A_462 = arith.extui %gt3A_461 : i1 to i32
      %cond3A_463 = arith.constant 0 : i32
      %cond3A_464 = arith.cmpi ne, %convert_element_type3A_462, %cond3A_463 : i32
      scf.if %cond3A_464 {
        %sub3A_1004 = arith.constant 8 : i32
        %sub3A_1005 = arith.subi %add3A_459, %sub3A_1004 : i32
        %mul3A_1006 = arith.constant 128 : i32
        %mul3A_1007 = arith.muli %sub3A_1005, %mul3A_1006 : i32
        %add3A_1008 = arith.addi %multiple_of3A, %mul3A_1007 : i32
        %jit3A_1009 = arith.constant 4096 : i32
        %div3A_1010 = arith.divsi %add3A_1008, %jit3A_1009 : i32
        %sign3A_1011 = arith.constant 0 : i32
        %sign3A_1012 = arith.cmpi sgt, %add3A_1008, %sign3A_1011 : i32
        %sign3A_1013 = arith.extui %sign3A_1012 : i1 to i32
        %sign3A_1014 = arith.constant 0 : i32
        %sign3A_1015 = arith.cmpi slt, %add3A_1008, %sign3A_1014 : i32
        %sign3A_1016 = arith.extui %sign3A_1015 : i1 to i32
        %sign3A_1017 = arith.subi %sign3A_1013, %sign3A_1016 : i32
        %sign3A_1018 = arith.constant 0 : i32
        %sign3A_1019 = arith.cmpi sgt, %jit3A_1009, %sign3A_1018 : i32
        %sign3A_1020 = arith.extui %sign3A_1019 : i1 to i32
        %sign3A_1021 = arith.constant 0 : i32
        %sign3A_1022 = arith.cmpi slt, %jit3A_1009, %sign3A_1021 : i32
        %sign3A_1023 = arith.extui %sign3A_1022 : i1 to i32
        %sign3A_1024 = arith.subi %sign3A_1020, %sign3A_1023 : i32
        %ne3A_1025 = arith.cmpi ne, %sign3A_1017, %sign3A_1024 : i32
        %rem3A_1026 = arith.remsi %add3A_1008, %jit3A_1009 : i32
        %ne3A_1027 = arith.constant 0 : i32
        %ne3A_1028 = arith.cmpi ne, %rem3A_1026, %ne3A_1027 : i32
        %and3A_1029 = arith.andi %ne3A_1025, %ne3A_1028 : i1
        %sub3A_1030 = arith.constant 1 : i32
        %sub3A_1031 = arith.subi %div3A_1010, %sub3A_1030 : i32
        %select_n3A_1032 = arith.select %and3A_1029, %sub3A_1031, %div3A_1010 : i32
        %mul3A_1033 = arith.constant 4096 : i32
        %mul3A_1034 = arith.muli %select_n3A_1032, %mul3A_1033 : i32
        %sub3A_1035 = arith.subi %add3A_1008, %mul3A_1034 : i32
        %multiple_of3A_1036 = tpu.assume_multiple %sub3A_1035, 128 : i32
        %dma_wait3A_1037 = arith.constant 5 : i32
        %dma_wait3A_1038 = arith.constant 0 : i32
        %dma_wait3A_1039 = arith.constant 0 : i32
        %dma_wait3A_1040 = tpu.memref_slice %arg6[%dma_wait3A_1037, %dma_wait3A_1038, %dma_wait3A_1039] : memref<8x128x64xf32, #tpu.memory_space<vmem>> -> memref<1x128x64xf32, #tpu.memory_space<vmem>>
        %dma_wait3A_1041 = tpu.memref_squeeze %dma_wait3A_1040 : memref<1x128x64xf32, #tpu.memory_space<vmem>> -> memref<128x64xf32, #tpu.memory_space<vmem>>
        %dma_wait3A_1042 = arith.constant 0 : i32
        %dma_wait3A_1043 = tpu.memref_slice %arg4[%select_n3A_1032, %multiple_of3A_1036, %dma_wait3A_1042] : memref<200x4096x64xf32, #tpu.memory_space<hbm>> -> memref<1x128x64xf32, #tpu.memory_space<hbm>>
        %dma_wait3A_1044 = tpu.memref_squeeze %dma_wait3A_1043 : memref<1x128x64xf32, #tpu.memory_space<hbm>> -> memref<128x64xf32, #tpu.memory_space<hbm>>
        %dma_wait3A_1045 = arith.constant 0 : i32
        %dma_wait3A_1046 = tpu.memref_slice %arg4[%select_n3A_1032, %multiple_of3A_1036, %dma_wait3A_1045] : memref<200x4096x64xf32, #tpu.memory_space<hbm>> -> memref<1x128x64xf32, #tpu.memory_space<hbm>>
        %dma_wait3A_1047 = tpu.memref_squeeze %dma_wait3A_1046 : memref<1x128x64xf32, #tpu.memory_space<hbm>> -> memref<128x64xf32, #tpu.memory_space<hbm>>
        %dma_wait3A_1048 = arith.constant 0 : i32
        %dma_wait3A_1049 = arith.constant 0 : i32
        %dma_wait3A_1050 = tpu.memref_slice %arg6[%dma_wait3A_1037, %dma_wait3A_1048, %dma_wait3A_1049] : memref<8x128x64xf32, #tpu.memory_space<vmem>> -> memref<1x128x64xf32, #tpu.memory_space<vmem>>
        %dma_wait3A_1051 = tpu.memref_squeeze %dma_wait3A_1050 : memref<1x128x64xf32, #tpu.memory_space<vmem>> -> memref<128x64xf32, #tpu.memory_space<vmem>>
        tpu.wait_dma2 semaphore(%arg20 : memref<!tpu.dma_semaphore, #tpu.memory_space<semaphore_mem>>) src(%dma_wait3A_1051 : memref<128x64xf32, #tpu.memory_space<vmem>>) dst(%dma_wait3A_1047 : memref<128x64xf32, #tpu.memory_space<hbm>>)
      } else {
      }
      %mul3A_465 = arith.constant 128 : i32
      %mul3A_466 = arith.muli %add3A_459, %mul3A_465 : i32
      %dma_start3A_467 = arith.constant 5 : i32
      %dma_start3A_468 = arith.constant 0 : i32
      %dma_start3A_469 = arith.constant 0 : i32
      %dma_start3A_470 = tpu.memref_slice %arg6[%dma_start3A_467, %dma_start3A_468, %dma_start3A_469] : memref<8x128x64xf32, #tpu.memory_space<vmem>> -> memref<1x128x64xf32, #tpu.memory_space<vmem>>
      %dma_start3A_471 = tpu.memref_squeeze %dma_start3A_470 : memref<1x128x64xf32, #tpu.memory_space<vmem>> -> memref<128x64xf32, #tpu.memory_space<vmem>>
      %dma_start3A_472 = tpu.memref_slice %arg5[%mul3A_466] : memref<25600xi32, #tpu.memory_space<vmem>> -> memref<128xi32, #tpu.memory_space<vmem>>
      %dma_start3A_473 = arith.constant 0 : i32
      %dma_start3A_474 = arith.constant 0 : i32
      %dma_start3A_475 = tpu.memref_slice %arg3[%dma_start3A_473, %dma_start3A_474] : memref<1000000x64xf32, #tpu.memory_space<hbm>> -> memref<1000000x64xf32, #tpu.memory_space<hbm>>
      tpu.enqueue_indirect_dma source(%dma_start3A_475 : memref<1000000x64xf32, #tpu.memory_space<hbm>>) target(%dma_start3A_471 : memref<128x64xf32, #tpu.memory_space<vmem>>) offsets(%dma_start3A_472 : memref<128xi32, #tpu.memory_space<vmem>>) semaphore(%arg12 : memref<!tpu.dma_semaphore, #tpu.memory_space<semaphore_mem>>)
      %mul3A_476 = arith.constant 8 : i32
      %mul3A_477 = arith.muli %scan3A_359, %mul3A_476 : i32
      %add3A_478 = arith.constant 6 : i32
      %add3A_479 = arith.addi %mul3A_477, %add3A_478 : i32
      %gt3A_480 = arith.constant 0 : i32
      %gt3A_481 = arith.cmpi sgt, %scan3A_359, %gt3A_480 : i32
      %convert_element_type3A_482 = arith.extui %gt3A_481 : i1 to i32
      %cond3A_483 = arith.constant 0 : i32
      %cond3A_484 = arith.cmpi ne, %convert_element_type3A_482, %cond3A_483 : i32
      scf.if %cond3A_484 {
        %sub3A_1004 = arith.constant 8 : i32
        %sub3A_1005 = arith.subi %add3A_479, %sub3A_1004 : i32
        %mul3A_1006 = arith.constant 128 : i32
        %mul3A_1007 = arith.muli %sub3A_1005, %mul3A_1006 : i32
        %add3A_1008 = arith.addi %multiple_of3A, %mul3A_1007 : i32
        %jit3A_1009 = arith.constant 4096 : i32
        %div3A_1010 = arith.divsi %add3A_1008, %jit3A_1009 : i32
        %sign3A_1011 = arith.constant 0 : i32
        %sign3A_1012 = arith.cmpi sgt, %add3A_1008, %sign3A_1011 : i32
        %sign3A_1013 = arith.extui %sign3A_1012 : i1 to i32
        %sign3A_1014 = arith.constant 0 : i32
        %sign3A_1015 = arith.cmpi slt, %add3A_1008, %sign3A_1014 : i32
        %sign3A_1016 = arith.extui %sign3A_1015 : i1 to i32
        %sign3A_1017 = arith.subi %sign3A_1013, %sign3A_1016 : i32
        %sign3A_1018 = arith.constant 0 : i32
        %sign3A_1019 = arith.cmpi sgt, %jit3A_1009, %sign3A_1018 : i32
        %sign3A_1020 = arith.extui %sign3A_1019 : i1 to i32
        %sign3A_1021 = arith.constant 0 : i32
        %sign3A_1022 = arith.cmpi slt, %jit3A_1009, %sign3A_1021 : i32
        %sign3A_1023 = arith.extui %sign3A_1022 : i1 to i32
        %sign3A_1024 = arith.subi %sign3A_1020, %sign3A_1023 : i32
        %ne3A_1025 = arith.cmpi ne, %sign3A_1017, %sign3A_1024 : i32
        %rem3A_1026 = arith.remsi %add3A_1008, %jit3A_1009 : i32
        %ne3A_1027 = arith.constant 0 : i32
        %ne3A_1028 = arith.cmpi ne, %rem3A_1026, %ne3A_1027 : i32
        %and3A_1029 = arith.andi %ne3A_1025, %ne3A_1028 : i1
        %sub3A_1030 = arith.constant 1 : i32
        %sub3A_1031 = arith.subi %div3A_1010, %sub3A_1030 : i32
        %select_n3A_1032 = arith.select %and3A_1029, %sub3A_1031, %div3A_1010 : i32
        %mul3A_1033 = arith.constant 4096 : i32
        %mul3A_1034 = arith.muli %select_n3A_1032, %mul3A_1033 : i32
        %sub3A_1035 = arith.subi %add3A_1008, %mul3A_1034 : i32
        %multiple_of3A_1036 = tpu.assume_multiple %sub3A_1035, 128 : i32
        %dma_wait3A_1037 = arith.constant 6 : i32
        %dma_wait3A_1038 = arith.constant 0 : i32
        %dma_wait3A_1039 = arith.constant 0 : i32
        %dma_wait3A_1040 = tpu.memref_slice %arg6[%dma_wait3A_1037, %dma_wait3A_1038, %dma_wait3A_1039] : memref<8x128x64xf32, #tpu.memory_space<vmem>> -> memref<1x128x64xf32, #tpu.memory_space<vmem>>
        %dma_wait3A_1041 = tpu.memref_squeeze %dma_wait3A_1040 : memref<1x128x64xf32, #tpu.memory_space<vmem>> -> memref<128x64xf32, #tpu.memory_space<vmem>>
        %dma_wait3A_1042 = arith.constant 0 : i32
        %dma_wait3A_1043 = tpu.memref_slice %arg4[%select_n3A_1032, %multiple_of3A_1036, %dma_wait3A_1042] : memref<200x4096x64xf32, #tpu.memory_space<hbm>> -> memref<1x128x64xf32, #tpu.memory_space<hbm>>
        %dma_wait3A_1044 = tpu.memref_squeeze %dma_wait3A_1043 : memref<1x128x64xf32, #tpu.memory_space<hbm>> -> memref<128x64xf32, #tpu.memory_space<hbm>>
        %dma_wait3A_1045 = arith.constant 0 : i32
        %dma_wait3A_1046 = tpu.memref_slice %arg4[%select_n3A_1032, %multiple_of3A_1036, %dma_wait3A_1045] : memref<200x4096x64xf32, #tpu.memory_space<hbm>> -> memref<1x128x64xf32, #tpu.memory_space<hbm>>
        %dma_wait3A_1047 = tpu.memref_squeeze %dma_wait3A_1046 : memref<1x128x64xf32, #tpu.memory_space<hbm>> -> memref<128x64xf32, #tpu.memory_space<hbm>>
        %dma_wait3A_1048 = arith.constant 0 : i32
        %dma_wait3A_1049 = arith.constant 0 : i32
        %dma_wait3A_1050 = tpu.memref_slice %arg6[%dma_wait3A_1037, %dma_wait3A_1048, %dma_wait3A_1049] : memref<8x128x64xf32, #tpu.memory_space<vmem>> -> memref<1x128x64xf32, #tpu.memory_space<vmem>>
        %dma_wait3A_1051 = tpu.memref_squeeze %dma_wait3A_1050 : memref<1x128x64xf32, #tpu.memory_space<vmem>> -> memref<128x64xf32, #tpu.memory_space<vmem>>
        tpu.wait_dma2 semaphore(%arg21 : memref<!tpu.dma_semaphore, #tpu.memory_space<semaphore_mem>>) src(%dma_wait3A_1051 : memref<128x64xf32, #tpu.memory_space<vmem>>) dst(%dma_wait3A_1047 : memref<128x64xf32, #tpu.memory_space<hbm>>)
      } else {
      }
      %mul3A_485 = arith.constant 128 : i32
      %mul3A_486 = arith.muli %add3A_479, %mul3A_485 : i32
      %dma_start3A_487 = arith.constant 6 : i32
      %dma_start3A_488 = arith.constant 0 : i32
      %dma_start3A_489 = arith.constant 0 : i32
      %dma_start3A_490 = tpu.memref_slice %arg6[%dma_start3A_487, %dma_start3A_488, %dma_start3A_489] : memref<8x128x64xf32, #tpu.memory_space<vmem>> -> memref<1x128x64xf32, #tpu.memory_space<vmem>>
      %dma_start3A_491 = tpu.memref_squeeze %dma_start3A_490 : memref<1x128x64xf32, #tpu.memory_space<vmem>> -> memref<128x64xf32, #tpu.memory_space<vmem>>
      %dma_start3A_492 = tpu.memref_slice %arg5[%mul3A_486] : memref<25600xi32, #tpu.memory_space<vmem>> -> memref<128xi32, #tpu.memory_space<vmem>>
      %dma_start3A_493 = arith.constant 0 : i32
      %dma_start3A_494 = arith.constant 0 : i32
      %dma_start3A_495 = tpu.memref_slice %arg3[%dma_start3A_493, %dma_start3A_494] : memref<1000000x64xf32, #tpu.memory_space<hbm>> -> memref<1000000x64xf32, #tpu.memory_space<hbm>>
      tpu.enqueue_indirect_dma source(%dma_start3A_495 : memref<1000000x64xf32, #tpu.memory_space<hbm>>) target(%dma_start3A_491 : memref<128x64xf32, #tpu.memory_space<vmem>>) offsets(%dma_start3A_492 : memref<128xi32, #tpu.memory_space<vmem>>) semaphore(%arg13 : memref<!tpu.dma_semaphore, #tpu.memory_space<semaphore_mem>>)
      %mul3A_496 = arith.constant 8 : i32
      %mul3A_497 = arith.muli %scan3A_359, %mul3A_496 : i32
      %add3A_498 = arith.constant 7 : i32
      %add3A_499 = arith.addi %mul3A_497, %add3A_498 : i32
      %gt3A_500 = arith.constant 0 : i32
      %gt3A_501 = arith.cmpi sgt, %scan3A_359, %gt3A_500 : i32
      %convert_element_type3A_502 = arith.extui %gt3A_501 : i1 to i32
      %cond3A_503 = arith.constant 0 : i32
      %cond3A_504 = arith.cmpi ne, %convert_element_type3A_502, %cond3A_503 : i32
      scf.if %cond3A_504 {
        %sub3A_1004 = arith.constant 8 : i32
        %sub3A_1005 = arith.subi %add3A_499, %sub3A_1004 : i32
        %mul3A_1006 = arith.constant 128 : i32
        %mul3A_1007 = arith.muli %sub3A_1005, %mul3A_1006 : i32
        %add3A_1008 = arith.addi %multiple_of3A, %mul3A_1007 : i32
        %jit3A_1009 = arith.constant 4096 : i32
        %div3A_1010 = arith.divsi %add3A_1008, %jit3A_1009 : i32
        %sign3A_1011 = arith.constant 0 : i32
        %sign3A_1012 = arith.cmpi sgt, %add3A_1008, %sign3A_1011 : i32
        %sign3A_1013 = arith.extui %sign3A_1012 : i1 to i32
        %sign3A_1014 = arith.constant 0 : i32
        %sign3A_1015 = arith.cmpi slt, %add3A_1008, %sign3A_1014 : i32
        %sign3A_1016 = arith.extui %sign3A_1015 : i1 to i32
        %sign3A_1017 = arith.subi %sign3A_1013, %sign3A_1016 : i32
        %sign3A_1018 = arith.constant 0 : i32
        %sign3A_1019 = arith.cmpi sgt, %jit3A_1009, %sign3A_1018 : i32
        %sign3A_1020 = arith.extui %sign3A_1019 : i1 to i32
        %sign3A_1021 = arith.constant 0 : i32
        %sign3A_1022 = arith.cmpi slt, %jit3A_1009, %sign3A_1021 : i32
        %sign3A_1023 = arith.extui %sign3A_1022 : i1 to i32
        %sign3A_1024 = arith.subi %sign3A_1020, %sign3A_1023 : i32
        %ne3A_1025 = arith.cmpi ne, %sign3A_1017, %sign3A_1024 : i32
        %rem3A_1026 = arith.remsi %add3A_1008, %jit3A_1009 : i32
        %ne3A_1027 = arith.constant 0 : i32
        %ne3A_1028 = arith.cmpi ne, %rem3A_1026, %ne3A_1027 : i32
        %and3A_1029 = arith.andi %ne3A_1025, %ne3A_1028 : i1
        %sub3A_1030 = arith.constant 1 : i32
        %sub3A_1031 = arith.subi %div3A_1010, %sub3A_1030 : i32
        %select_n3A_1032 = arith.select %and3A_1029, %sub3A_1031, %div3A_1010 : i32
        %mul3A_1033 = arith.constant 4096 : i32
        %mul3A_1034 = arith.muli %select_n3A_1032, %mul3A_1033 : i32
        %sub3A_1035 = arith.subi %add3A_1008, %mul3A_1034 : i32
        %multiple_of3A_1036 = tpu.assume_multiple %sub3A_1035, 128 : i32
        %dma_wait3A_1037 = arith.constant 7 : i32
        %dma_wait3A_1038 = arith.constant 0 : i32
        %dma_wait3A_1039 = arith.constant 0 : i32
        %dma_wait3A_1040 = tpu.memref_slice %arg6[%dma_wait3A_1037, %dma_wait3A_1038, %dma_wait3A_1039] : memref<8x128x64xf32, #tpu.memory_space<vmem>> -> memref<1x128x64xf32, #tpu.memory_space<vmem>>
        %dma_wait3A_1041 = tpu.memref_squeeze %dma_wait3A_1040 : memref<1x128x64xf32, #tpu.memory_space<vmem>> -> memref<128x64xf32, #tpu.memory_space<vmem>>
        %dma_wait3A_1042 = arith.constant 0 : i32
        %dma_wait3A_1043 = tpu.memref_slice %arg4[%select_n3A_1032, %multiple_of3A_1036, %dma_wait3A_1042] : memref<200x4096x64xf32, #tpu.memory_space<hbm>> -> memref<1x128x64xf32, #tpu.memory_space<hbm>>
        %dma_wait3A_1044 = tpu.memref_squeeze %dma_wait3A_1043 : memref<1x128x64xf32, #tpu.memory_space<hbm>> -> memref<128x64xf32, #tpu.memory_space<hbm>>
        %dma_wait3A_1045 = arith.constant 0 : i32
        %dma_wait3A_1046 = tpu.memref_slice %arg4[%select_n3A_1032, %multiple_of3A_1036, %dma_wait3A_1045] : memref<200x4096x64xf32, #tpu.memory_space<hbm>> -> memref<1x128x64xf32, #tpu.memory_space<hbm>>
        %dma_wait3A_1047 = tpu.memref_squeeze %dma_wait3A_1046 : memref<1x128x64xf32, #tpu.memory_space<hbm>> -> memref<128x64xf32, #tpu.memory_space<hbm>>
        %dma_wait3A_1048 = arith.constant 0 : i32
        %dma_wait3A_1049 = arith.constant 0 : i32
        %dma_wait3A_1050 = tpu.memref_slice %arg6[%dma_wait3A_1037, %dma_wait3A_1048, %dma_wait3A_1049] : memref<8x128x64xf32, #tpu.memory_space<vmem>> -> memref<1x128x64xf32, #tpu.memory_space<vmem>>
        %dma_wait3A_1051 = tpu.memref_squeeze %dma_wait3A_1050 : memref<1x128x64xf32, #tpu.memory_space<vmem>> -> memref<128x64xf32, #tpu.memory_space<vmem>>
        tpu.wait_dma2 semaphore(%arg22 : memref<!tpu.dma_semaphore, #tpu.memory_space<semaphore_mem>>) src(%dma_wait3A_1051 : memref<128x64xf32, #tpu.memory_space<vmem>>) dst(%dma_wait3A_1047 : memref<128x64xf32, #tpu.memory_space<hbm>>)
      } else {
      }
      %mul3A_505 = arith.constant 128 : i32
      %mul3A_506 = arith.muli %add3A_499, %mul3A_505 : i32
      %dma_start3A_507 = arith.constant 7 : i32
      %dma_start3A_508 = arith.constant 0 : i32
      %dma_start3A_509 = arith.constant 0 : i32
      %dma_start3A_510 = tpu.memref_slice %arg6[%dma_start3A_507, %dma_start3A_508, %dma_start3A_509] : memref<8x128x64xf32, #tpu.memory_space<vmem>> -> memref<1x128x64xf32, #tpu.memory_space<vmem>>
      %dma_start3A_511 = tpu.memref_squeeze %dma_start3A_510 : memref<1x128x64xf32, #tpu.memory_space<vmem>> -> memref<128x64xf32, #tpu.memory_space<vmem>>
      %dma_start3A_512 = tpu.memref_slice %arg5[%mul3A_506] : memref<25600xi32, #tpu.memory_space<vmem>> -> memref<128xi32, #tpu.memory_space<vmem>>
      %dma_start3A_513 = arith.constant 0 : i32
      %dma_start3A_514 = arith.constant 0 : i32
      %dma_start3A_515 = tpu.memref_slice %arg3[%dma_start3A_513, %dma_start3A_514] : memref<1000000x64xf32, #tpu.memory_space<hbm>> -> memref<1000000x64xf32, #tpu.memory_space<hbm>>
      tpu.enqueue_indirect_dma source(%dma_start3A_515 : memref<1000000x64xf32, #tpu.memory_space<hbm>>) target(%dma_start3A_511 : memref<128x64xf32, #tpu.memory_space<vmem>>) offsets(%dma_start3A_512 : memref<128xi32, #tpu.memory_space<vmem>>) semaphore(%arg14 : memref<!tpu.dma_semaphore, #tpu.memory_space<semaphore_mem>>)
      %mul3A_516 = arith.constant 8 : i32
      %mul3A_517 = arith.muli %scan3A_359, %mul3A_516 : i32
      %add3A_518 = arith.constant 0 : i32
      %add3A_519 = arith.addi %mul3A_517, %add3A_518 : i32
      %mul3A_520 = arith.constant 128 : i32
      %mul3A_521 = arith.muli %add3A_519, %mul3A_520 : i32
      %dma_wait3A_522 = arith.constant 0 : i32
      %dma_wait3A_523 = arith.constant 0 : i32
      %dma_wait3A_524 = arith.constant 0 : i32
      %dma_wait3A_525 = tpu.memref_slice %arg6[%dma_wait3A_522, %dma_wait3A_523, %dma_wait3A_524] : memref<8x128x64xf32, #tpu.memory_space<vmem>> -> memref<1x128x64xf32, #tpu.memory_space<vmem>>
      %dma_wait3A_526 = tpu.memref_squeeze %dma_wait3A_525 : memref<1x128x64xf32, #tpu.memory_space<vmem>> -> memref<128x64xf32, #tpu.memory_space<vmem>>
      %dma_wait3A_527 = tpu.memref_slice %arg5[%mul3A_521] : memref<25600xi32, #tpu.memory_space<vmem>> -> memref<128xi32, #tpu.memory_space<vmem>>
      %dma_wait3A_528 = arith.constant 0 : i32
      %dma_wait3A_529 = arith.constant 0 : i32
      %dma_wait3A_530 = tpu.memref_slice %arg3[%dma_wait3A_528, %dma_wait3A_529] : memref<1000000x64xf32, #tpu.memory_space<hbm>> -> memref<1000000x64xf32, #tpu.memory_space<hbm>>
      tpu.wait_indirect_dma semaphore(%arg7 : memref<!tpu.dma_semaphore, #tpu.memory_space<semaphore_mem>>) src(%dma_wait3A_530 : memref<1000000x64xf32, #tpu.memory_space<hbm>>) dst(%dma_wait3A_526 : memref<128x64xf32, #tpu.memory_space<vmem>>)
      %mul3A_531 = arith.constant 128 : i32
      %mul3A_532 = arith.muli %add3A_519, %mul3A_531 : i32
      %add3A_533 = arith.addi %multiple_of3A, %mul3A_532 : i32
      %jit3A_534 = arith.constant 4096 : i32
      %div3A_535 = arith.divsi %add3A_533, %jit3A_534 : i32
      %sign3A_536 = arith.constant 0 : i32
      %sign3A_537 = arith.cmpi sgt, %add3A_533, %sign3A_536 : i32
      %sign3A_538 = arith.extui %sign3A_537 : i1 to i32
      %sign3A_539 = arith.constant 0 : i32
      %sign3A_540 = arith.cmpi slt, %add3A_533, %sign3A_539 : i32
      %sign3A_541 = arith.extui %sign3A_540 : i1 to i32
      %sign3A_542 = arith.subi %sign3A_538, %sign3A_541 : i32
      %sign3A_543 = arith.constant 0 : i32
      %sign3A_544 = arith.cmpi sgt, %jit3A_534, %sign3A_543 : i32
      %sign3A_545 = arith.extui %sign3A_544 : i1 to i32
      %sign3A_546 = arith.constant 0 : i32
      %sign3A_547 = arith.cmpi slt, %jit3A_534, %sign3A_546 : i32
      %sign3A_548 = arith.extui %sign3A_547 : i1 to i32
      %sign3A_549 = arith.subi %sign3A_545, %sign3A_548 : i32
      %ne3A_550 = arith.cmpi ne, %sign3A_542, %sign3A_549 : i32
      %rem3A_551 = arith.remsi %add3A_533, %jit3A_534 : i32
      %ne3A_552 = arith.constant 0 : i32
      %ne3A_553 = arith.cmpi ne, %rem3A_551, %ne3A_552 : i32
      %and3A_554 = arith.andi %ne3A_550, %ne3A_553 : i1
      %sub3A_555 = arith.constant 1 : i32
      %sub3A_556 = arith.subi %div3A_535, %sub3A_555 : i32
      %select_n3A_557 = arith.select %and3A_554, %sub3A_556, %div3A_535 : i32
      %mul3A_558 = arith.constant 4096 : i32
      %mul3A_559 = arith.muli %select_n3A_557, %mul3A_558 : i32
      %sub3A_560 = arith.subi %add3A_533, %mul3A_559 : i32
      %multiple_of3A_561 = tpu.assume_multiple %sub3A_560, 128 : i32
      %dma_start3A_562 = arith.constant 0 : i32
      %dma_start3A_563 = arith.constant 0 : i32
      %dma_start3A_564 = arith.constant 0 : i32
      %dma_start3A_565 = tpu.memref_slice %arg6[%dma_start3A_562, %dma_start3A_563, %dma_start3A_564] : memref<8x128x64xf32, #tpu.memory_space<vmem>> -> memref<1x128x64xf32, #tpu.memory_space<vmem>>
      %dma_start3A_566 = tpu.memref_squeeze %dma_start3A_565 : memref<1x128x64xf32, #tpu.memory_space<vmem>> -> memref<128x64xf32, #tpu.memory_space<vmem>>
      %dma_start3A_567 = arith.constant 0 : i32
      %dma_start3A_568 = tpu.memref_slice %arg4[%select_n3A_557, %multiple_of3A_561, %dma_start3A_567] : memref<200x4096x64xf32, #tpu.memory_space<hbm>> -> memref<1x128x64xf32, #tpu.memory_space<hbm>>
      %dma_start3A_569 = tpu.memref_squeeze %dma_start3A_568 : memref<1x128x64xf32, #tpu.memory_space<hbm>> -> memref<128x64xf32, #tpu.memory_space<hbm>>
      %dma_start3A_570 = arith.constant 0 : i32
      %dma_start3A_571 = tpu.memref_slice %arg4[%select_n3A_557, %multiple_of3A_561, %dma_start3A_570] : memref<200x4096x64xf32, #tpu.memory_space<hbm>> -> memref<1x128x64xf32, #tpu.memory_space<hbm>>
      %dma_start3A_572 = tpu.memref_squeeze %dma_start3A_571 : memref<1x128x64xf32, #tpu.memory_space<hbm>> -> memref<128x64xf32, #tpu.memory_space<hbm>>
      %dma_start3A_573 = arith.constant 0 : i32
      %dma_start3A_574 = arith.constant 0 : i32
      %dma_start3A_575 = tpu.memref_slice %arg6[%dma_start3A_562, %dma_start3A_573, %dma_start3A_574] : memref<8x128x64xf32, #tpu.memory_space<vmem>> -> memref<1x128x64xf32, #tpu.memory_space<vmem>>
      %dma_start3A_576 = tpu.memref_squeeze %dma_start3A_575 : memref<1x128x64xf32, #tpu.memory_space<vmem>> -> memref<128x64xf32, #tpu.memory_space<vmem>>
      tpu.enqueue_dma source(%dma_start3A_576 : memref<128x64xf32, #tpu.memory_space<vmem>>) target(%dma_start3A_572 : memref<128x64xf32, #tpu.memory_space<hbm>>) target_semaphore(%arg15 : memref<!tpu.dma_semaphore, #tpu.memory_space<semaphore_mem>>)
      %mul3A_577 = arith.constant 8 : i32
      %mul3A_578 = arith.muli %scan3A_359, %mul3A_577 : i32
      %add3A_579 = arith.constant 1 : i32
      %add3A_580 = arith.addi %mul3A_578, %add3A_579 : i32
      %mul3A_581 = arith.constant 128 : i32
      %mul3A_582 = arith.muli %add3A_580, %mul3A_581 : i32
      %dma_wait3A_583 = arith.constant 1 : i32
      %dma_wait3A_584 = arith.constant 0 : i32
      %dma_wait3A_585 = arith.constant 0 : i32
      %dma_wait3A_586 = tpu.memref_slice %arg6[%dma_wait3A_583, %dma_wait3A_584, %dma_wait3A_585] : memref<8x128x64xf32, #tpu.memory_space<vmem>> -> memref<1x128x64xf32, #tpu.memory_space<vmem>>
      %dma_wait3A_587 = tpu.memref_squeeze %dma_wait3A_586 : memref<1x128x64xf32, #tpu.memory_space<vmem>> -> memref<128x64xf32, #tpu.memory_space<vmem>>
      %dma_wait3A_588 = tpu.memref_slice %arg5[%mul3A_582] : memref<25600xi32, #tpu.memory_space<vmem>> -> memref<128xi32, #tpu.memory_space<vmem>>
      %dma_wait3A_589 = arith.constant 0 : i32
      %dma_wait3A_590 = arith.constant 0 : i32
      %dma_wait3A_591 = tpu.memref_slice %arg3[%dma_wait3A_589, %dma_wait3A_590] : memref<1000000x64xf32, #tpu.memory_space<hbm>> -> memref<1000000x64xf32, #tpu.memory_space<hbm>>
      tpu.wait_indirect_dma semaphore(%arg8 : memref<!tpu.dma_semaphore, #tpu.memory_space<semaphore_mem>>) src(%dma_wait3A_591 : memref<1000000x64xf32, #tpu.memory_space<hbm>>) dst(%dma_wait3A_587 : memref<128x64xf32, #tpu.memory_space<vmem>>)
      %mul3A_592 = arith.constant 128 : i32
      %mul3A_593 = arith.muli %add3A_580, %mul3A_592 : i32
      %add3A_594 = arith.addi %multiple_of3A, %mul3A_593 : i32
      %jit3A_595 = arith.constant 4096 : i32
      %div3A_596 = arith.divsi %add3A_594, %jit3A_595 : i32
      %sign3A_597 = arith.constant 0 : i32
      %sign3A_598 = arith.cmpi sgt, %add3A_594, %sign3A_597 : i32
      %sign3A_599 = arith.extui %sign3A_598 : i1 to i32
      %sign3A_600 = arith.constant 0 : i32
      %sign3A_601 = arith.cmpi slt, %add3A_594, %sign3A_600 : i32
      %sign3A_602 = arith.extui %sign3A_601 : i1 to i32
      %sign3A_603 = arith.subi %sign3A_599, %sign3A_602 : i32
      %sign3A_604 = arith.constant 0 : i32
      %sign3A_605 = arith.cmpi sgt, %jit3A_595, %sign3A_604 : i32
      %sign3A_606 = arith.extui %sign3A_605 : i1 to i32
      %sign3A_607 = arith.constant 0 : i32
      %sign3A_608 = arith.cmpi slt, %jit3A_595, %sign3A_607 : i32
      %sign3A_609 = arith.extui %sign3A_608 : i1 to i32
      %sign3A_610 = arith.subi %sign3A_606, %sign3A_609 : i32
      %ne3A_611 = arith.cmpi ne, %sign3A_603, %sign3A_610 : i32
      %rem3A_612 = arith.remsi %add3A_594, %jit3A_595 : i32
      %ne3A_613 = arith.constant 0 : i32
      %ne3A_614 = arith.cmpi ne, %rem3A_612, %ne3A_613 : i32
      %and3A_615 = arith.andi %ne3A_611, %ne3A_614 : i1
      %sub3A_616 = arith.constant 1 : i32
      %sub3A_617 = arith.subi %div3A_596, %sub3A_616 : i32
      %select_n3A_618 = arith.select %and3A_615, %sub3A_617, %div3A_596 : i32
      %mul3A_619 = arith.constant 4096 : i32
      %mul3A_620 = arith.muli %select_n3A_618, %mul3A_619 : i32
      %sub3A_621 = arith.subi %add3A_594, %mul3A_620 : i32
      %multiple_of3A_622 = tpu.assume_multiple %sub3A_621, 128 : i32
      %dma_start3A_623 = arith.constant 1 : i32
      %dma_start3A_624 = arith.constant 0 : i32
      %dma_start3A_625 = arith.constant 0 : i32
      %dma_start3A_626 = tpu.memref_slice %arg6[%dma_start3A_623, %dma_start3A_624, %dma_start3A_625] : memref<8x128x64xf32, #tpu.memory_space<vmem>> -> memref<1x128x64xf32, #tpu.memory_space<vmem>>
      %dma_start3A_627 = tpu.memref_squeeze %dma_start3A_626 : memref<1x128x64xf32, #tpu.memory_space<vmem>> -> memref<128x64xf32, #tpu.memory_space<vmem>>
      %dma_start3A_628 = arith.constant 0 : i32
      %dma_start3A_629 = tpu.memref_slice %arg4[%select_n3A_618, %multiple_of3A_622, %dma_start3A_628] : memref<200x4096x64xf32, #tpu.memory_space<hbm>> -> memref<1x128x64xf32, #tpu.memory_space<hbm>>
      %dma_start3A_630 = tpu.memref_squeeze %dma_start3A_629 : memref<1x128x64xf32, #tpu.memory_space<hbm>> -> memref<128x64xf32, #tpu.memory_space<hbm>>
      %dma_start3A_631 = arith.constant 0 : i32
      %dma_start3A_632 = tpu.memref_slice %arg4[%select_n3A_618, %multiple_of3A_622, %dma_start3A_631] : memref<200x4096x64xf32, #tpu.memory_space<hbm>> -> memref<1x128x64xf32, #tpu.memory_space<hbm>>
      %dma_start3A_633 = tpu.memref_squeeze %dma_start3A_632 : memref<1x128x64xf32, #tpu.memory_space<hbm>> -> memref<128x64xf32, #tpu.memory_space<hbm>>
      %dma_start3A_634 = arith.constant 0 : i32
      %dma_start3A_635 = arith.constant 0 : i32
      %dma_start3A_636 = tpu.memref_slice %arg6[%dma_start3A_623, %dma_start3A_634, %dma_start3A_635] : memref<8x128x64xf32, #tpu.memory_space<vmem>> -> memref<1x128x64xf32, #tpu.memory_space<vmem>>
      %dma_start3A_637 = tpu.memref_squeeze %dma_start3A_636 : memref<1x128x64xf32, #tpu.memory_space<vmem>> -> memref<128x64xf32, #tpu.memory_space<vmem>>
      tpu.enqueue_dma source(%dma_start3A_637 : memref<128x64xf32, #tpu.memory_space<vmem>>) target(%dma_start3A_633 : memref<128x64xf32, #tpu.memory_space<hbm>>) target_semaphore(%arg16 : memref<!tpu.dma_semaphore, #tpu.memory_space<semaphore_mem>>)
      %mul3A_638 = arith.constant 8 : i32
      %mul3A_639 = arith.muli %scan3A_359, %mul3A_638 : i32
      %add3A_640 = arith.constant 2 : i32
      %add3A_641 = arith.addi %mul3A_639, %add3A_640 : i32
      %mul3A_642 = arith.constant 128 : i32
      %mul3A_643 = arith.muli %add3A_641, %mul3A_642 : i32
      %dma_wait3A_644 = arith.constant 2 : i32
      %dma_wait3A_645 = arith.constant 0 : i32
      %dma_wait3A_646 = arith.constant 0 : i32
      %dma_wait3A_647 = tpu.memref_slice %arg6[%dma_wait3A_644, %dma_wait3A_645, %dma_wait3A_646] : memref<8x128x64xf32, #tpu.memory_space<vmem>> -> memref<1x128x64xf32, #tpu.memory_space<vmem>>
      %dma_wait3A_648 = tpu.memref_squeeze %dma_wait3A_647 : memref<1x128x64xf32, #tpu.memory_space<vmem>> -> memref<128x64xf32, #tpu.memory_space<vmem>>
      %dma_wait3A_649 = tpu.memref_slice %arg5[%mul3A_643] : memref<25600xi32, #tpu.memory_space<vmem>> -> memref<128xi32, #tpu.memory_space<vmem>>
      %dma_wait3A_650 = arith.constant 0 : i32
      %dma_wait3A_651 = arith.constant 0 : i32
      %dma_wait3A_652 = tpu.memref_slice %arg3[%dma_wait3A_650, %dma_wait3A_651] : memref<1000000x64xf32, #tpu.memory_space<hbm>> -> memref<1000000x64xf32, #tpu.memory_space<hbm>>
      tpu.wait_indirect_dma semaphore(%arg9 : memref<!tpu.dma_semaphore, #tpu.memory_space<semaphore_mem>>) src(%dma_wait3A_652 : memref<1000000x64xf32, #tpu.memory_space<hbm>>) dst(%dma_wait3A_648 : memref<128x64xf32, #tpu.memory_space<vmem>>)
      %mul3A_653 = arith.constant 128 : i32
      %mul3A_654 = arith.muli %add3A_641, %mul3A_653 : i32
      %add3A_655 = arith.addi %multiple_of3A, %mul3A_654 : i32
      %jit3A_656 = arith.constant 4096 : i32
      %div3A_657 = arith.divsi %add3A_655, %jit3A_656 : i32
      %sign3A_658 = arith.constant 0 : i32
      %sign3A_659 = arith.cmpi sgt, %add3A_655, %sign3A_658 : i32
      %sign3A_660 = arith.extui %sign3A_659 : i1 to i32
      %sign3A_661 = arith.constant 0 : i32
      %sign3A_662 = arith.cmpi slt, %add3A_655, %sign3A_661 : i32
      %sign3A_663 = arith.extui %sign3A_662 : i1 to i32
      %sign3A_664 = arith.subi %sign3A_660, %sign3A_663 : i32
      %sign3A_665 = arith.constant 0 : i32
      %sign3A_666 = arith.cmpi sgt, %jit3A_656, %sign3A_665 : i32
      %sign3A_667 = arith.extui %sign3A_666 : i1 to i32
      %sign3A_668 = arith.constant 0 : i32
      %sign3A_669 = arith.cmpi slt, %jit3A_656, %sign3A_668 : i32
      %sign3A_670 = arith.extui %sign3A_669 : i1 to i32
      %sign3A_671 = arith.subi %sign3A_667, %sign3A_670 : i32
      %ne3A_672 = arith.cmpi ne, %sign3A_664, %sign3A_671 : i32
      %rem3A_673 = arith.remsi %add3A_655, %jit3A_656 : i32
      %ne3A_674 = arith.constant 0 : i32
      %ne3A_675 = arith.cmpi ne, %rem3A_673, %ne3A_674 : i32
      %and3A_676 = arith.andi %ne3A_672, %ne3A_675 : i1
      %sub3A_677 = arith.constant 1 : i32
      %sub3A_678 = arith.subi %div3A_657, %sub3A_677 : i32
      %select_n3A_679 = arith.select %and3A_676, %sub3A_678, %div3A_657 : i32
      %mul3A_680 = arith.constant 4096 : i32
      %mul3A_681 = arith.muli %select_n3A_679, %mul3A_680 : i32
      %sub3A_682 = arith.subi %add3A_655, %mul3A_681 : i32
      %multiple_of3A_683 = tpu.assume_multiple %sub3A_682, 128 : i32
      %dma_start3A_684 = arith.constant 2 : i32
      %dma_start3A_685 = arith.constant 0 : i32
      %dma_start3A_686 = arith.constant 0 : i32
      %dma_start3A_687 = tpu.memref_slice %arg6[%dma_start3A_684, %dma_start3A_685, %dma_start3A_686] : memref<8x128x64xf32, #tpu.memory_space<vmem>> -> memref<1x128x64xf32, #tpu.memory_space<vmem>>
      %dma_start3A_688 = tpu.memref_squeeze %dma_start3A_687 : memref<1x128x64xf32, #tpu.memory_space<vmem>> -> memref<128x64xf32, #tpu.memory_space<vmem>>
      %dma_start3A_689 = arith.constant 0 : i32
      %dma_start3A_690 = tpu.memref_slice %arg4[%select_n3A_679, %multiple_of3A_683, %dma_start3A_689] : memref<200x4096x64xf32, #tpu.memory_space<hbm>> -> memref<1x128x64xf32, #tpu.memory_space<hbm>>
      %dma_start3A_691 = tpu.memref_squeeze %dma_start3A_690 : memref<1x128x64xf32, #tpu.memory_space<hbm>> -> memref<128x64xf32, #tpu.memory_space<hbm>>
      %dma_start3A_692 = arith.constant 0 : i32
      %dma_start3A_693 = tpu.memref_slice %arg4[%select_n3A_679, %multiple_of3A_683, %dma_start3A_692] : memref<200x4096x64xf32, #tpu.memory_space<hbm>> -> memref<1x128x64xf32, #tpu.memory_space<hbm>>
      %dma_start3A_694 = tpu.memref_squeeze %dma_start3A_693 : memref<1x128x64xf32, #tpu.memory_space<hbm>> -> memref<128x64xf32, #tpu.memory_space<hbm>>
      %dma_start3A_695 = arith.constant 0 : i32
      %dma_start3A_696 = arith.constant 0 : i32
      %dma_start3A_697 = tpu.memref_slice %arg6[%dma_start3A_684, %dma_start3A_695, %dma_start3A_696] : memref<8x128x64xf32, #tpu.memory_space<vmem>> -> memref<1x128x64xf32, #tpu.memory_space<vmem>>
      %dma_start3A_698 = tpu.memref_squeeze %dma_start3A_697 : memref<1x128x64xf32, #tpu.memory_space<vmem>> -> memref<128x64xf32, #tpu.memory_space<vmem>>
      tpu.enqueue_dma source(%dma_start3A_698 : memref<128x64xf32, #tpu.memory_space<vmem>>) target(%dma_start3A_694 : memref<128x64xf32, #tpu.memory_space<hbm>>) target_semaphore(%arg17 : memref<!tpu.dma_semaphore, #tpu.memory_space<semaphore_mem>>)
      %mul3A_699 = arith.constant 8 : i32
      %mul3A_700 = arith.muli %scan3A_359, %mul3A_699 : i32
      %add3A_701 = arith.constant 3 : i32
      %add3A_702 = arith.addi %mul3A_700, %add3A_701 : i32
      %mul3A_703 = arith.constant 128 : i32
      %mul3A_704 = arith.muli %add3A_702, %mul3A_703 : i32
      %dma_wait3A_705 = arith.constant 3 : i32
      %dma_wait3A_706 = arith.constant 0 : i32
      %dma_wait3A_707 = arith.constant 0 : i32
      %dma_wait3A_708 = tpu.memref_slice %arg6[%dma_wait3A_705, %dma_wait3A_706, %dma_wait3A_707] : memref<8x128x64xf32, #tpu.memory_space<vmem>> -> memref<1x128x64xf32, #tpu.memory_space<vmem>>
      %dma_wait3A_709 = tpu.memref_squeeze %dma_wait3A_708 : memref<1x128x64xf32, #tpu.memory_space<vmem>> -> memref<128x64xf32, #tpu.memory_space<vmem>>
      %dma_wait3A_710 = tpu.memref_slice %arg5[%mul3A_704] : memref<25600xi32, #tpu.memory_space<vmem>> -> memref<128xi32, #tpu.memory_space<vmem>>
      %dma_wait3A_711 = arith.constant 0 : i32
      %dma_wait3A_712 = arith.constant 0 : i32
      %dma_wait3A_713 = tpu.memref_slice %arg3[%dma_wait3A_711, %dma_wait3A_712] : memref<1000000x64xf32, #tpu.memory_space<hbm>> -> memref<1000000x64xf32, #tpu.memory_space<hbm>>
      tpu.wait_indirect_dma semaphore(%arg10 : memref<!tpu.dma_semaphore, #tpu.memory_space<semaphore_mem>>) src(%dma_wait3A_713 : memref<1000000x64xf32, #tpu.memory_space<hbm>>) dst(%dma_wait3A_709 : memref<128x64xf32, #tpu.memory_space<vmem>>)
      %mul3A_714 = arith.constant 128 : i32
      %mul3A_715 = arith.muli %add3A_702, %mul3A_714 : i32
      %add3A_716 = arith.addi %multiple_of3A, %mul3A_715 : i32
      %jit3A_717 = arith.constant 4096 : i32
      %div3A_718 = arith.divsi %add3A_716, %jit3A_717 : i32
      %sign3A_719 = arith.constant 0 : i32
      %sign3A_720 = arith.cmpi sgt, %add3A_716, %sign3A_719 : i32
      %sign3A_721 = arith.extui %sign3A_720 : i1 to i32
      %sign3A_722 = arith.constant 0 : i32
      %sign3A_723 = arith.cmpi slt, %add3A_716, %sign3A_722 : i32
      %sign3A_724 = arith.extui %sign3A_723 : i1 to i32
      %sign3A_725 = arith.subi %sign3A_721, %sign3A_724 : i32
      %sign3A_726 = arith.constant 0 : i32
      %sign3A_727 = arith.cmpi sgt, %jit3A_717, %sign3A_726 : i32
      %sign3A_728 = arith.extui %sign3A_727 : i1 to i32
      %sign3A_729 = arith.constant 0 : i32
      %sign3A_730 = arith.cmpi slt, %jit3A_717, %sign3A_729 : i32
      %sign3A_731 = arith.extui %sign3A_730 : i1 to i32
      %sign3A_732 = arith.subi %sign3A_728, %sign3A_731 : i32
      %ne3A_733 = arith.cmpi ne, %sign3A_725, %sign3A_732 : i32
      %rem3A_734 = arith.remsi %add3A_716, %jit3A_717 : i32
      %ne3A_735 = arith.constant 0 : i32
      %ne3A_736 = arith.cmpi ne, %rem3A_734, %ne3A_735 : i32
      %and3A_737 = arith.andi %ne3A_733, %ne3A_736 : i1
      %sub3A_738 = arith.constant 1 : i32
      %sub3A_739 = arith.subi %div3A_718, %sub3A_738 : i32
      %select_n3A_740 = arith.select %and3A_737, %sub3A_739, %div3A_718 : i32
      %mul3A_741 = arith.constant 4096 : i32
      %mul3A_742 = arith.muli %select_n3A_740, %mul3A_741 : i32
      %sub3A_743 = arith.subi %add3A_716, %mul3A_742 : i32
      %multiple_of3A_744 = tpu.assume_multiple %sub3A_743, 128 : i32
      %dma_start3A_745 = arith.constant 3 : i32
      %dma_start3A_746 = arith.constant 0 : i32
      %dma_start3A_747 = arith.constant 0 : i32
      %dma_start3A_748 = tpu.memref_slice %arg6[%dma_start3A_745, %dma_start3A_746, %dma_start3A_747] : memref<8x128x64xf32, #tpu.memory_space<vmem>> -> memref<1x128x64xf32, #tpu.memory_space<vmem>>
      %dma_start3A_749 = tpu.memref_squeeze %dma_start3A_748 : memref<1x128x64xf32, #tpu.memory_space<vmem>> -> memref<128x64xf32, #tpu.memory_space<vmem>>
      %dma_start3A_750 = arith.constant 0 : i32
      %dma_start3A_751 = tpu.memref_slice %arg4[%select_n3A_740, %multiple_of3A_744, %dma_start3A_750] : memref<200x4096x64xf32, #tpu.memory_space<hbm>> -> memref<1x128x64xf32, #tpu.memory_space<hbm>>
      %dma_start3A_752 = tpu.memref_squeeze %dma_start3A_751 : memref<1x128x64xf32, #tpu.memory_space<hbm>> -> memref<128x64xf32, #tpu.memory_space<hbm>>
      %dma_start3A_753 = arith.constant 0 : i32
      %dma_start3A_754 = tpu.memref_slice %arg4[%select_n3A_740, %multiple_of3A_744, %dma_start3A_753] : memref<200x4096x64xf32, #tpu.memory_space<hbm>> -> memref<1x128x64xf32, #tpu.memory_space<hbm>>
      %dma_start3A_755 = tpu.memref_squeeze %dma_start3A_754 : memref<1x128x64xf32, #tpu.memory_space<hbm>> -> memref<128x64xf32, #tpu.memory_space<hbm>>
      %dma_start3A_756 = arith.constant 0 : i32
      %dma_start3A_757 = arith.constant 0 : i32
      %dma_start3A_758 = tpu.memref_slice %arg6[%dma_start3A_745, %dma_start3A_756, %dma_start3A_757] : memref<8x128x64xf32, #tpu.memory_space<vmem>> -> memref<1x128x64xf32, #tpu.memory_space<vmem>>
      %dma_start3A_759 = tpu.memref_squeeze %dma_start3A_758 : memref<1x128x64xf32, #tpu.memory_space<vmem>> -> memref<128x64xf32, #tpu.memory_space<vmem>>
      tpu.enqueue_dma source(%dma_start3A_759 : memref<128x64xf32, #tpu.memory_space<vmem>>) target(%dma_start3A_755 : memref<128x64xf32, #tpu.memory_space<hbm>>) target_semaphore(%arg18 : memref<!tpu.dma_semaphore, #tpu.memory_space<semaphore_mem>>)
      %mul3A_760 = arith.constant 8 : i32
      %mul3A_761 = arith.muli %scan3A_359, %mul3A_760 : i32
      %add3A_762 = arith.constant 4 : i32
      %add3A_763 = arith.addi %mul3A_761, %add3A_762 : i32
      %mul3A_764 = arith.constant 128 : i32
      %mul3A_765 = arith.muli %add3A_763, %mul3A_764 : i32
      %dma_wait3A_766 = arith.constant 4 : i32
      %dma_wait3A_767 = arith.constant 0 : i32
      %dma_wait3A_768 = arith.constant 0 : i32
      %dma_wait3A_769 = tpu.memref_slice %arg6[%dma_wait3A_766, %dma_wait3A_767, %dma_wait3A_768] : memref<8x128x64xf32, #tpu.memory_space<vmem>> -> memref<1x128x64xf32, #tpu.memory_space<vmem>>
      %dma_wait3A_770 = tpu.memref_squeeze %dma_wait3A_769 : memref<1x128x64xf32, #tpu.memory_space<vmem>> -> memref<128x64xf32, #tpu.memory_space<vmem>>
      %dma_wait3A_771 = tpu.memref_slice %arg5[%mul3A_765] : memref<25600xi32, #tpu.memory_space<vmem>> -> memref<128xi32, #tpu.memory_space<vmem>>
      %dma_wait3A_772 = arith.constant 0 : i32
      %dma_wait3A_773 = arith.constant 0 : i32
      %dma_wait3A_774 = tpu.memref_slice %arg3[%dma_wait3A_772, %dma_wait3A_773] : memref<1000000x64xf32, #tpu.memory_space<hbm>> -> memref<1000000x64xf32, #tpu.memory_space<hbm>>
      tpu.wait_indirect_dma semaphore(%arg11 : memref<!tpu.dma_semaphore, #tpu.memory_space<semaphore_mem>>) src(%dma_wait3A_774 : memref<1000000x64xf32, #tpu.memory_space<hbm>>) dst(%dma_wait3A_770 : memref<128x64xf32, #tpu.memory_space<vmem>>)
      %mul3A_775 = arith.constant 128 : i32
      %mul3A_776 = arith.muli %add3A_763, %mul3A_775 : i32
      %add3A_777 = arith.addi %multiple_of3A, %mul3A_776 : i32
      %jit3A_778 = arith.constant 4096 : i32
      %div3A_779 = arith.divsi %add3A_777, %jit3A_778 : i32
      %sign3A_780 = arith.constant 0 : i32
      %sign3A_781 = arith.cmpi sgt, %add3A_777, %sign3A_780 : i32
      %sign3A_782 = arith.extui %sign3A_781 : i1 to i32
      %sign3A_783 = arith.constant 0 : i32
      %sign3A_784 = arith.cmpi slt, %add3A_777, %sign3A_783 : i32
      %sign3A_785 = arith.extui %sign3A_784 : i1 to i32
      %sign3A_786 = arith.subi %sign3A_782, %sign3A_785 : i32
      %sign3A_787 = arith.constant 0 : i32
      %sign3A_788 = arith.cmpi sgt, %jit3A_778, %sign3A_787 : i32
      %sign3A_789 = arith.extui %sign3A_788 : i1 to i32
      %sign3A_790 = arith.constant 0 : i32
      %sign3A_791 = arith.cmpi slt, %jit3A_778, %sign3A_790 : i32
      %sign3A_792 = arith.extui %sign3A_791 : i1 to i32
      %sign3A_793 = arith.subi %sign3A_789, %sign3A_792 : i32
      %ne3A_794 = arith.cmpi ne, %sign3A_786, %sign3A_793 : i32
      %rem3A_795 = arith.remsi %add3A_777, %jit3A_778 : i32
      %ne3A_796 = arith.constant 0 : i32
      %ne3A_797 = arith.cmpi ne, %rem3A_795, %ne3A_796 : i32
      %and3A_798 = arith.andi %ne3A_794, %ne3A_797 : i1
      %sub3A_799 = arith.constant 1 : i32
      %sub3A_800 = arith.subi %div3A_779, %sub3A_799 : i32
      %select_n3A_801 = arith.select %and3A_798, %sub3A_800, %div3A_779 : i32
      %mul3A_802 = arith.constant 4096 : i32
      %mul3A_803 = arith.muli %select_n3A_801, %mul3A_802 : i32
      %sub3A_804 = arith.subi %add3A_777, %mul3A_803 : i32
      %multiple_of3A_805 = tpu.assume_multiple %sub3A_804, 128 : i32
      %dma_start3A_806 = arith.constant 4 : i32
      %dma_start3A_807 = arith.constant 0 : i32
      %dma_start3A_808 = arith.constant 0 : i32
      %dma_start3A_809 = tpu.memref_slice %arg6[%dma_start3A_806, %dma_start3A_807, %dma_start3A_808] : memref<8x128x64xf32, #tpu.memory_space<vmem>> -> memref<1x128x64xf32, #tpu.memory_space<vmem>>
      %dma_start3A_810 = tpu.memref_squeeze %dma_start3A_809 : memref<1x128x64xf32, #tpu.memory_space<vmem>> -> memref<128x64xf32, #tpu.memory_space<vmem>>
      %dma_start3A_811 = arith.constant 0 : i32
      %dma_start3A_812 = tpu.memref_slice %arg4[%select_n3A_801, %multiple_of3A_805, %dma_start3A_811] : memref<200x4096x64xf32, #tpu.memory_space<hbm>> -> memref<1x128x64xf32, #tpu.memory_space<hbm>>
      %dma_start3A_813 = tpu.memref_squeeze %dma_start3A_812 : memref<1x128x64xf32, #tpu.memory_space<hbm>> -> memref<128x64xf32, #tpu.memory_space<hbm>>
      %dma_start3A_814 = arith.constant 0 : i32
      %dma_start3A_815 = tpu.memref_slice %arg4[%select_n3A_801, %multiple_of3A_805, %dma_start3A_814] : memref<200x4096x64xf32, #tpu.memory_space<hbm>> -> memref<1x128x64xf32, #tpu.memory_space<hbm>>
      %dma_start3A_816 = tpu.memref_squeeze %dma_start3A_815 : memref<1x128x64xf32, #tpu.memory_space<hbm>> -> memref<128x64xf32, #tpu.memory_space<hbm>>
      %dma_start3A_817 = arith.constant 0 : i32
      %dma_start3A_818 = arith.constant 0 : i32
      %dma_start3A_819 = tpu.memref_slice %arg6[%dma_start3A_806, %dma_start3A_817, %dma_start3A_818] : memref<8x128x64xf32, #tpu.memory_space<vmem>> -> memref<1x128x64xf32, #tpu.memory_space<vmem>>
      %dma_start3A_820 = tpu.memref_squeeze %dma_start3A_819 : memref<1x128x64xf32, #tpu.memory_space<vmem>> -> memref<128x64xf32, #tpu.memory_space<vmem>>
      tpu.enqueue_dma source(%dma_start3A_820 : memref<128x64xf32, #tpu.memory_space<vmem>>) target(%dma_start3A_816 : memref<128x64xf32, #tpu.memory_space<hbm>>) target_semaphore(%arg19 : memref<!tpu.dma_semaphore, #tpu.memory_space<semaphore_mem>>)
      %mul3A_821 = arith.constant 8 : i32
      %mul3A_822 = arith.muli %scan3A_359, %mul3A_821 : i32
      %add3A_823 = arith.constant 5 : i32
      %add3A_824 = arith.addi %mul3A_822, %add3A_823 : i32
      %mul3A_825 = arith.constant 128 : i32
      %mul3A_826 = arith.muli %add3A_824, %mul3A_825 : i32
      %dma_wait3A_827 = arith.constant 5 : i32
      %dma_wait3A_828 = arith.constant 0 : i32
      %dma_wait3A_829 = arith.constant 0 : i32
      %dma_wait3A_830 = tpu.memref_slice %arg6[%dma_wait3A_827, %dma_wait3A_828, %dma_wait3A_829] : memref<8x128x64xf32, #tpu.memory_space<vmem>> -> memref<1x128x64xf32, #tpu.memory_space<vmem>>
      %dma_wait3A_831 = tpu.memref_squeeze %dma_wait3A_830 : memref<1x128x64xf32, #tpu.memory_space<vmem>> -> memref<128x64xf32, #tpu.memory_space<vmem>>
      %dma_wait3A_832 = tpu.memref_slice %arg5[%mul3A_826] : memref<25600xi32, #tpu.memory_space<vmem>> -> memref<128xi32, #tpu.memory_space<vmem>>
      %dma_wait3A_833 = arith.constant 0 : i32
      %dma_wait3A_834 = arith.constant 0 : i32
      %dma_wait3A_835 = tpu.memref_slice %arg3[%dma_wait3A_833, %dma_wait3A_834] : memref<1000000x64xf32, #tpu.memory_space<hbm>> -> memref<1000000x64xf32, #tpu.memory_space<hbm>>
      tpu.wait_indirect_dma semaphore(%arg12 : memref<!tpu.dma_semaphore, #tpu.memory_space<semaphore_mem>>) src(%dma_wait3A_835 : memref<1000000x64xf32, #tpu.memory_space<hbm>>) dst(%dma_wait3A_831 : memref<128x64xf32, #tpu.memory_space<vmem>>)
      %mul3A_836 = arith.constant 128 : i32
      %mul3A_837 = arith.muli %add3A_824, %mul3A_836 : i32
      %add3A_838 = arith.addi %multiple_of3A, %mul3A_837 : i32
      %jit3A_839 = arith.constant 4096 : i32
      %div3A_840 = arith.divsi %add3A_838, %jit3A_839 : i32
      %sign3A_841 = arith.constant 0 : i32
      %sign3A_842 = arith.cmpi sgt, %add3A_838, %sign3A_841 : i32
      %sign3A_843 = arith.extui %sign3A_842 : i1 to i32
      %sign3A_844 = arith.constant 0 : i32
      %sign3A_845 = arith.cmpi slt, %add3A_838, %sign3A_844 : i32
      %sign3A_846 = arith.extui %sign3A_845 : i1 to i32
      %sign3A_847 = arith.subi %sign3A_843, %sign3A_846 : i32
      %sign3A_848 = arith.constant 0 : i32
      %sign3A_849 = arith.cmpi sgt, %jit3A_839, %sign3A_848 : i32
      %sign3A_850 = arith.extui %sign3A_849 : i1 to i32
      %sign3A_851 = arith.constant 0 : i32
      %sign3A_852 = arith.cmpi slt, %jit3A_839, %sign3A_851 : i32
      %sign3A_853 = arith.extui %sign3A_852 : i1 to i32
      %sign3A_854 = arith.subi %sign3A_850, %sign3A_853 : i32
      %ne3A_855 = arith.cmpi ne, %sign3A_847, %sign3A_854 : i32
      %rem3A_856 = arith.remsi %add3A_838, %jit3A_839 : i32
      %ne3A_857 = arith.constant 0 : i32
      %ne3A_858 = arith.cmpi ne, %rem3A_856, %ne3A_857 : i32
      %and3A_859 = arith.andi %ne3A_855, %ne3A_858 : i1
      %sub3A_860 = arith.constant 1 : i32
      %sub3A_861 = arith.subi %div3A_840, %sub3A_860 : i32
      %select_n3A_862 = arith.select %and3A_859, %sub3A_861, %div3A_840 : i32
      %mul3A_863 = arith.constant 4096 : i32
      %mul3A_864 = arith.muli %select_n3A_862, %mul3A_863 : i32
      %sub3A_865 = arith.subi %add3A_838, %mul3A_864 : i32
      %multiple_of3A_866 = tpu.assume_multiple %sub3A_865, 128 : i32
      %dma_start3A_867 = arith.constant 5 : i32
      %dma_start3A_868 = arith.constant 0 : i32
      %dma_start3A_869 = arith.constant 0 : i32
      %dma_start3A_870 = tpu.memref_slice %arg6[%dma_start3A_867, %dma_start3A_868, %dma_start3A_869] : memref<8x128x64xf32, #tpu.memory_space<vmem>> -> memref<1x128x64xf32, #tpu.memory_space<vmem>>
      %dma_start3A_871 = tpu.memref_squeeze %dma_start3A_870 : memref<1x128x64xf32, #tpu.memory_space<vmem>> -> memref<128x64xf32, #tpu.memory_space<vmem>>
      %dma_start3A_872 = arith.constant 0 : i32
      %dma_start3A_873 = tpu.memref_slice %arg4[%select_n3A_862, %multiple_of3A_866, %dma_start3A_872] : memref<200x4096x64xf32, #tpu.memory_space<hbm>> -> memref<1x128x64xf32, #tpu.memory_space<hbm>>
      %dma_start3A_874 = tpu.memref_squeeze %dma_start3A_873 : memref<1x128x64xf32, #tpu.memory_space<hbm>> -> memref<128x64xf32, #tpu.memory_space<hbm>>
      %dma_start3A_875 = arith.constant 0 : i32
      %dma_start3A_876 = tpu.memref_slice %arg4[%select_n3A_862, %multiple_of3A_866, %dma_start3A_875] : memref<200x4096x64xf32, #tpu.memory_space<hbm>> -> memref<1x128x64xf32, #tpu.memory_space<hbm>>
      %dma_start3A_877 = tpu.memref_squeeze %dma_start3A_876 : memref<1x128x64xf32, #tpu.memory_space<hbm>> -> memref<128x64xf32, #tpu.memory_space<hbm>>
      %dma_start3A_878 = arith.constant 0 : i32
      %dma_start3A_879 = arith.constant 0 : i32
      %dma_start3A_880 = tpu.memref_slice %arg6[%dma_start3A_867, %dma_start3A_878, %dma_start3A_879] : memref<8x128x64xf32, #tpu.memory_space<vmem>> -> memref<1x128x64xf32, #tpu.memory_space<vmem>>
      %dma_start3A_881 = tpu.memref_squeeze %dma_start3A_880 : memref<1x128x64xf32, #tpu.memory_space<vmem>> -> memref<128x64xf32, #tpu.memory_space<vmem>>
      tpu.enqueue_dma source(%dma_start3A_881 : memref<128x64xf32, #tpu.memory_space<vmem>>) target(%dma_start3A_877 : memref<128x64xf32, #tpu.memory_space<hbm>>) target_semaphore(%arg20 : memref<!tpu.dma_semaphore, #tpu.memory_space<semaphore_mem>>)
      %mul3A_882 = arith.constant 8 : i32
      %mul3A_883 = arith.muli %scan3A_359, %mul3A_882 : i32
      %add3A_884 = arith.constant 6 : i32
      %add3A_885 = arith.addi %mul3A_883, %add3A_884 : i32
      %mul3A_886 = arith.constant 128 : i32
      %mul3A_887 = arith.muli %add3A_885, %mul3A_886 : i32
      %dma_wait3A_888 = arith.constant 6 : i32
      %dma_wait3A_889 = arith.constant 0 : i32
      %dma_wait3A_890 = arith.constant 0 : i32
      %dma_wait3A_891 = tpu.memref_slice %arg6[%dma_wait3A_888, %dma_wait3A_889, %dma_wait3A_890] : memref<8x128x64xf32, #tpu.memory_space<vmem>> -> memref<1x128x64xf32, #tpu.memory_space<vmem>>
      %dma_wait3A_892 = tpu.memref_squeeze %dma_wait3A_891 : memref<1x128x64xf32, #tpu.memory_space<vmem>> -> memref<128x64xf32, #tpu.memory_space<vmem>>
      %dma_wait3A_893 = tpu.memref_slice %arg5[%mul3A_887] : memref<25600xi32, #tpu.memory_space<vmem>> -> memref<128xi32, #tpu.memory_space<vmem>>
      %dma_wait3A_894 = arith.constant 0 : i32
      %dma_wait3A_895 = arith.constant 0 : i32
      %dma_wait3A_896 = tpu.memref_slice %arg3[%dma_wait3A_894, %dma_wait3A_895] : memref<1000000x64xf32, #tpu.memory_space<hbm>> -> memref<1000000x64xf32, #tpu.memory_space<hbm>>
      tpu.wait_indirect_dma semaphore(%arg13 : memref<!tpu.dma_semaphore, #tpu.memory_space<semaphore_mem>>) src(%dma_wait3A_896 : memref<1000000x64xf32, #tpu.memory_space<hbm>>) dst(%dma_wait3A_892 : memref<128x64xf32, #tpu.memory_space<vmem>>)
      %mul3A_897 = arith.constant 128 : i32
      %mul3A_898 = arith.muli %add3A_885, %mul3A_897 : i32
      %add3A_899 = arith.addi %multiple_of3A, %mul3A_898 : i32
      %jit3A_900 = arith.constant 4096 : i32
      %div3A_901 = arith.divsi %add3A_899, %jit3A_900 : i32
      %sign3A_902 = arith.constant 0 : i32
      %sign3A_903 = arith.cmpi sgt, %add3A_899, %sign3A_902 : i32
      %sign3A_904 = arith.extui %sign3A_903 : i1 to i32
      %sign3A_905 = arith.constant 0 : i32
      %sign3A_906 = arith.cmpi slt, %add3A_899, %sign3A_905 : i32
      %sign3A_907 = arith.extui %sign3A_906 : i1 to i32
      %sign3A_908 = arith.subi %sign3A_904, %sign3A_907 : i32
      %sign3A_909 = arith.constant 0 : i32
      %sign3A_910 = arith.cmpi sgt, %jit3A_900, %sign3A_909 : i32
      %sign3A_911 = arith.extui %sign3A_910 : i1 to i32
      %sign3A_912 = arith.constant 0 : i32
      %sign3A_913 = arith.cmpi slt, %jit3A_900, %sign3A_912 : i32
      %sign3A_914 = arith.extui %sign3A_913 : i1 to i32
      %sign3A_915 = arith.subi %sign3A_911, %sign3A_914 : i32
      %ne3A_916 = arith.cmpi ne, %sign3A_908, %sign3A_915 : i32
      %rem3A_917 = arith.remsi %add3A_899, %jit3A_900 : i32
      %ne3A_918 = arith.constant 0 : i32
      %ne3A_919 = arith.cmpi ne, %rem3A_917, %ne3A_918 : i32
      %and3A_920 = arith.andi %ne3A_916, %ne3A_919 : i1
      %sub3A_921 = arith.constant 1 : i32
      %sub3A_922 = arith.subi %div3A_901, %sub3A_921 : i32
      %select_n3A_923 = arith.select %and3A_920, %sub3A_922, %div3A_901 : i32
      %mul3A_924 = arith.constant 4096 : i32
      %mul3A_925 = arith.muli %select_n3A_923, %mul3A_924 : i32
      %sub3A_926 = arith.subi %add3A_899, %mul3A_925 : i32
      %multiple_of3A_927 = tpu.assume_multiple %sub3A_926, 128 : i32
      %dma_start3A_928 = arith.constant 6 : i32
      %dma_start3A_929 = arith.constant 0 : i32
      %dma_start3A_930 = arith.constant 0 : i32
      %dma_start3A_931 = tpu.memref_slice %arg6[%dma_start3A_928, %dma_start3A_929, %dma_start3A_930] : memref<8x128x64xf32, #tpu.memory_space<vmem>> -> memref<1x128x64xf32, #tpu.memory_space<vmem>>
      %dma_start3A_932 = tpu.memref_squeeze %dma_start3A_931 : memref<1x128x64xf32, #tpu.memory_space<vmem>> -> memref<128x64xf32, #tpu.memory_space<vmem>>
      %dma_start3A_933 = arith.constant 0 : i32
      %dma_start3A_934 = tpu.memref_slice %arg4[%select_n3A_923, %multiple_of3A_927, %dma_start3A_933] : memref<200x4096x64xf32, #tpu.memory_space<hbm>> -> memref<1x128x64xf32, #tpu.memory_space<hbm>>
      %dma_start3A_935 = tpu.memref_squeeze %dma_start3A_934 : memref<1x128x64xf32, #tpu.memory_space<hbm>> -> memref<128x64xf32, #tpu.memory_space<hbm>>
      %dma_start3A_936 = arith.constant 0 : i32
      %dma_start3A_937 = tpu.memref_slice %arg4[%select_n3A_923, %multiple_of3A_927, %dma_start3A_936] : memref<200x4096x64xf32, #tpu.memory_space<hbm>> -> memref<1x128x64xf32, #tpu.memory_space<hbm>>
      %dma_start3A_938 = tpu.memref_squeeze %dma_start3A_937 : memref<1x128x64xf32, #tpu.memory_space<hbm>> -> memref<128x64xf32, #tpu.memory_space<hbm>>
      %dma_start3A_939 = arith.constant 0 : i32
      %dma_start3A_940 = arith.constant 0 : i32
      %dma_start3A_941 = tpu.memref_slice %arg6[%dma_start3A_928, %dma_start3A_939, %dma_start3A_940] : memref<8x128x64xf32, #tpu.memory_space<vmem>> -> memref<1x128x64xf32, #tpu.memory_space<vmem>>
      %dma_start3A_942 = tpu.memref_squeeze %dma_start3A_941 : memref<1x128x64xf32, #tpu.memory_space<vmem>> -> memref<128x64xf32, #tpu.memory_space<vmem>>
      tpu.enqueue_dma source(%dma_start3A_942 : memref<128x64xf32, #tpu.memory_space<vmem>>) target(%dma_start3A_938 : memref<128x64xf32, #tpu.memory_space<hbm>>) target_semaphore(%arg21 : memref<!tpu.dma_semaphore, #tpu.memory_space<semaphore_mem>>)
      %mul3A_943 = arith.constant 8 : i32
      %mul3A_944 = arith.muli %scan3A_359, %mul3A_943 : i32
      %add3A_945 = arith.constant 7 : i32
      %add3A_946 = arith.addi %mul3A_944, %add3A_945 : i32
      %mul3A_947 = arith.constant 128 : i32
      %mul3A_948 = arith.muli %add3A_946, %mul3A_947 : i32
      %dma_wait3A_949 = arith.constant 7 : i32
      %dma_wait3A_950 = arith.constant 0 : i32
      %dma_wait3A_951 = arith.constant 0 : i32
      %dma_wait3A_952 = tpu.memref_slice %arg6[%dma_wait3A_949, %dma_wait3A_950, %dma_wait3A_951] : memref<8x128x64xf32, #tpu.memory_space<vmem>> -> memref<1x128x64xf32, #tpu.memory_space<vmem>>
      %dma_wait3A_953 = tpu.memref_squeeze %dma_wait3A_952 : memref<1x128x64xf32, #tpu.memory_space<vmem>> -> memref<128x64xf32, #tpu.memory_space<vmem>>
      %dma_wait3A_954 = tpu.memref_slice %arg5[%mul3A_948] : memref<25600xi32, #tpu.memory_space<vmem>> -> memref<128xi32, #tpu.memory_space<vmem>>
      %dma_wait3A_955 = arith.constant 0 : i32
      %dma_wait3A_956 = arith.constant 0 : i32
      %dma_wait3A_957 = tpu.memref_slice %arg3[%dma_wait3A_955, %dma_wait3A_956] : memref<1000000x64xf32, #tpu.memory_space<hbm>> -> memref<1000000x64xf32, #tpu.memory_space<hbm>>
      tpu.wait_indirect_dma semaphore(%arg14 : memref<!tpu.dma_semaphore, #tpu.memory_space<semaphore_mem>>) src(%dma_wait3A_957 : memref<1000000x64xf32, #tpu.memory_space<hbm>>) dst(%dma_wait3A_953 : memref<128x64xf32, #tpu.memory_space<vmem>>)
      %mul3A_958 = arith.constant 128 : i32
      %mul3A_959 = arith.muli %add3A_946, %mul3A_958 : i32
      %add3A_960 = arith.addi %multiple_of3A, %mul3A_959 : i32
      %jit3A_961 = arith.constant 4096 : i32
      %div3A_962 = arith.divsi %add3A_960, %jit3A_961 : i32
      %sign3A_963 = arith.constant 0 : i32
      %sign3A_964 = arith.cmpi sgt, %add3A_960, %sign3A_963 : i32
      %sign3A_965 = arith.extui %sign3A_964 : i1 to i32
      %sign3A_966 = arith.constant 0 : i32
      %sign3A_967 = arith.cmpi slt, %add3A_960, %sign3A_966 : i32
      %sign3A_968 = arith.extui %sign3A_967 : i1 to i32
      %sign3A_969 = arith.subi %sign3A_965, %sign3A_968 : i32
      %sign3A_970 = arith.constant 0 : i32
      %sign3A_971 = arith.cmpi sgt, %jit3A_961, %sign3A_970 : i32
      %sign3A_972 = arith.extui %sign3A_971 : i1 to i32
      %sign3A_973 = arith.constant 0 : i32
      %sign3A_974 = arith.cmpi slt, %jit3A_961, %sign3A_973 : i32
      %sign3A_975 = arith.extui %sign3A_974 : i1 to i32
      %sign3A_976 = arith.subi %sign3A_972, %sign3A_975 : i32
      %ne3A_977 = arith.cmpi ne, %sign3A_969, %sign3A_976 : i32
      %rem3A_978 = arith.remsi %add3A_960, %jit3A_961 : i32
      %ne3A_979 = arith.constant 0 : i32
      %ne3A_980 = arith.cmpi ne, %rem3A_978, %ne3A_979 : i32
      %and3A_981 = arith.andi %ne3A_977, %ne3A_980 : i1
      %sub3A_982 = arith.constant 1 : i32
      %sub3A_983 = arith.subi %div3A_962, %sub3A_982 : i32
      %select_n3A_984 = arith.select %and3A_981, %sub3A_983, %div3A_962 : i32
      %mul3A_985 = arith.constant 4096 : i32
      %mul3A_986 = arith.muli %select_n3A_984, %mul3A_985 : i32
      %sub3A_987 = arith.subi %add3A_960, %mul3A_986 : i32
      %multiple_of3A_988 = tpu.assume_multiple %sub3A_987, 128 : i32
      %dma_start3A_989 = arith.constant 7 : i32
      %dma_start3A_990 = arith.constant 0 : i32
      %dma_start3A_991 = arith.constant 0 : i32
      %dma_start3A_992 = tpu.memref_slice %arg6[%dma_start3A_989, %dma_start3A_990, %dma_start3A_991] : memref<8x128x64xf32, #tpu.memory_space<vmem>> -> memref<1x128x64xf32, #tpu.memory_space<vmem>>
      %dma_start3A_993 = tpu.memref_squeeze %dma_start3A_992 : memref<1x128x64xf32, #tpu.memory_space<vmem>> -> memref<128x64xf32, #tpu.memory_space<vmem>>
      %dma_start3A_994 = arith.constant 0 : i32
      %dma_start3A_995 = tpu.memref_slice %arg4[%select_n3A_984, %multiple_of3A_988, %dma_start3A_994] : memref<200x4096x64xf32, #tpu.memory_space<hbm>> -> memref<1x128x64xf32, #tpu.memory_space<hbm>>
      %dma_start3A_996 = tpu.memref_squeeze %dma_start3A_995 : memref<1x128x64xf32, #tpu.memory_space<hbm>> -> memref<128x64xf32, #tpu.memory_space<hbm>>
      %dma_start3A_997 = arith.constant 0 : i32
      %dma_start3A_998 = tpu.memref_slice %arg4[%select_n3A_984, %multiple_of3A_988, %dma_start3A_997] : memref<200x4096x64xf32, #tpu.memory_space<hbm>> -> memref<1x128x64xf32, #tpu.memory_space<hbm>>
      %dma_start3A_999 = tpu.memref_squeeze %dma_start3A_998 : memref<1x128x64xf32, #tpu.memory_space<hbm>> -> memref<128x64xf32, #tpu.memory_space<hbm>>
      %dma_start3A_1000 = arith.constant 0 : i32
      %dma_start3A_1001 = arith.constant 0 : i32
      %dma_start3A_1002 = tpu.memref_slice %arg6[%dma_start3A_989, %dma_start3A_1000, %dma_start3A_1001] : memref<8x128x64xf32, #tpu.memory_space<vmem>> -> memref<1x128x64xf32, #tpu.memory_space<vmem>>
      %dma_start3A_1003 = tpu.memref_squeeze %dma_start3A_1002 : memref<1x128x64xf32, #tpu.memory_space<vmem>> -> memref<128x64xf32, #tpu.memory_space<vmem>>
      tpu.enqueue_dma source(%dma_start3A_1003 : memref<128x64xf32, #tpu.memory_space<vmem>>) target(%dma_start3A_999 : memref<128x64xf32, #tpu.memory_space<hbm>>) target_semaphore(%arg22 : memref<!tpu.dma_semaphore, #tpu.memory_space<semaphore_mem>>)
    }
    %scan3A_7 = arith.constant 25 : i32
    %add3A_8 = arith.constant 24576 : i32
    %add3A_9 = arith.addi %multiple_of3A, %add3A_8 : i32
    %jit3A = arith.constant 4096 : i32
    %div3A = arith.divsi %add3A_9, %jit3A : i32
    %sign3A = arith.constant 0 : i32
    %sign3A_10 = arith.cmpi sgt, %add3A_9, %sign3A : i32
    %sign3A_11 = arith.extui %sign3A_10 : i1 to i32
    %sign3A_12 = arith.constant 0 : i32
    %sign3A_13 = arith.cmpi slt, %add3A_9, %sign3A_12 : i32
    %sign3A_14 = arith.extui %sign3A_13 : i1 to i32
    %sign3A_15 = arith.subi %sign3A_11, %sign3A_14 : i32
    %sign3A_16 = arith.constant 0 : i32
    %sign3A_17 = arith.cmpi sgt, %jit3A, %sign3A_16 : i32
    %sign3A_18 = arith.extui %sign3A_17 : i1 to i32
    %sign3A_19 = arith.constant 0 : i32
    %sign3A_20 = arith.cmpi slt, %jit3A, %sign3A_19 : i32
    %sign3A_21 = arith.extui %sign3A_20 : i1 to i32
    %sign3A_22 = arith.subi %sign3A_18, %sign3A_21 : i32
    %ne3A = arith.cmpi ne, %sign3A_15, %sign3A_22 : i32
    %rem3A = arith.remsi %add3A_9, %jit3A : i32
    %ne3A_23 = arith.constant 0 : i32
    %ne3A_24 = arith.cmpi ne, %rem3A, %ne3A_23 : i32
    %and3A = arith.andi %ne3A, %ne3A_24 : i1
    %sub3A = arith.constant 1 : i32
    %sub3A_25 = arith.subi %div3A, %sub3A : i32
    %select_n3A = arith.select %and3A, %sub3A_25, %div3A : i32
    %mul3A_26 = arith.constant 4096 : i32
    %mul3A_27 = arith.muli %select_n3A, %mul3A_26 : i32
    %sub3A_28 = arith.subi %add3A_9, %mul3A_27 : i32
    %multiple_of3A_29 = tpu.assume_multiple %sub3A_28, 128 : i32
    %dma_wait3A = arith.constant 0 : i32
    %dma_wait3A_30 = arith.constant 0 : i32
    %dma_wait3A_31 = arith.constant 0 : i32
    %dma_wait3A_32 = tpu.memref_slice %arg6[%dma_wait3A, %dma_wait3A_30, %dma_wait3A_31] : memref<8x128x64xf32, #tpu.memory_space<vmem>> -> memref<1x128x64xf32, #tpu.memory_space<vmem>>
    %dma_wait3A_33 = tpu.memref_squeeze %dma_wait3A_32 : memref<1x128x64xf32, #tpu.memory_space<vmem>> -> memref<128x64xf32, #tpu.memory_space<vmem>>
    %dma_wait3A_34 = arith.constant 0 : i32
    %dma_wait3A_35 = tpu.memref_slice %arg4[%select_n3A, %multiple_of3A_29, %dma_wait3A_34] : memref<200x4096x64xf32, #tpu.memory_space<hbm>> -> memref<1x128x64xf32, #tpu.memory_space<hbm>>
    %dma_wait3A_36 = tpu.memref_squeeze %dma_wait3A_35 : memref<1x128x64xf32, #tpu.memory_space<hbm>> -> memref<128x64xf32, #tpu.memory_space<hbm>>
    %dma_wait3A_37 = arith.constant 0 : i32
    %dma_wait3A_38 = tpu.memref_slice %arg4[%select_n3A, %multiple_of3A_29, %dma_wait3A_37] : memref<200x4096x64xf32, #tpu.memory_space<hbm>> -> memref<1x128x64xf32, #tpu.memory_space<hbm>>
    %dma_wait3A_39 = tpu.memref_squeeze %dma_wait3A_38 : memref<1x128x64xf32, #tpu.memory_space<hbm>> -> memref<128x64xf32, #tpu.memory_space<hbm>>
    %dma_wait3A_40 = arith.constant 0 : i32
    %dma_wait3A_41 = arith.constant 0 : i32
    %dma_wait3A_42 = tpu.memref_slice %arg6[%dma_wait3A, %dma_wait3A_40, %dma_wait3A_41] : memref<8x128x64xf32, #tpu.memory_space<vmem>> -> memref<1x128x64xf32, #tpu.memory_space<vmem>>
    %dma_wait3A_43 = tpu.memref_squeeze %dma_wait3A_42 : memref<1x128x64xf32, #tpu.memory_space<vmem>> -> memref<128x64xf32, #tpu.memory_space<vmem>>
    tpu.wait_dma2 semaphore(%arg15 : memref<!tpu.dma_semaphore, #tpu.memory_space<semaphore_mem>>) src(%dma_wait3A_43 : memref<128x64xf32, #tpu.memory_space<vmem>>) dst(%dma_wait3A_39 : memref<128x64xf32, #tpu.memory_space<hbm>>)
    %add3A_44 = arith.constant 24704 : i32
    %add3A_45 = arith.addi %multiple_of3A, %add3A_44 : i32
    %jit3A_46 = arith.constant 4096 : i32
    %div3A_47 = arith.divsi %add3A_45, %jit3A_46 : i32
    %sign3A_48 = arith.constant 0 : i32
    %sign3A_49 = arith.cmpi sgt, %add3A_45, %sign3A_48 : i32
    %sign3A_50 = arith.extui %sign3A_49 : i1 to i32
    %sign3A_51 = arith.constant 0 : i32
    %sign3A_52 = arith.cmpi slt, %add3A_45, %sign3A_51 : i32
    %sign3A_53 = arith.extui %sign3A_52 : i1 to i32
    %sign3A_54 = arith.subi %sign3A_50, %sign3A_53 : i32
    %sign3A_55 = arith.constant 0 : i32
    %sign3A_56 = arith.cmpi sgt, %jit3A_46, %sign3A_55 : i32
    %sign3A_57 = arith.extui %sign3A_56 : i1 to i32
    %sign3A_58 = arith.constant 0 : i32
    %sign3A_59 = arith.cmpi slt, %jit3A_46, %sign3A_58 : i32
    %sign3A_60 = arith.extui %sign3A_59 : i1 to i32
    %sign3A_61 = arith.subi %sign3A_57, %sign3A_60 : i32
    %ne3A_62 = arith.cmpi ne, %sign3A_54, %sign3A_61 : i32
    %rem3A_63 = arith.remsi %add3A_45, %jit3A_46 : i32
    %ne3A_64 = arith.constant 0 : i32
    %ne3A_65 = arith.cmpi ne, %rem3A_63, %ne3A_64 : i32
    %and3A_66 = arith.andi %ne3A_62, %ne3A_65 : i1
    %sub3A_67 = arith.constant 1 : i32
    %sub3A_68 = arith.subi %div3A_47, %sub3A_67 : i32
    %select_n3A_69 = arith.select %and3A_66, %sub3A_68, %div3A_47 : i32
    %mul3A_70 = arith.constant 4096 : i32
    %mul3A_71 = arith.muli %select_n3A_69, %mul3A_70 : i32
    %sub3A_72 = arith.subi %add3A_45, %mul3A_71 : i32
    %multiple_of3A_73 = tpu.assume_multiple %sub3A_72, 128 : i32
    %dma_wait3A_74 = arith.constant 1 : i32
    %dma_wait3A_75 = arith.constant 0 : i32
    %dma_wait3A_76 = arith.constant 0 : i32
    %dma_wait3A_77 = tpu.memref_slice %arg6[%dma_wait3A_74, %dma_wait3A_75, %dma_wait3A_76] : memref<8x128x64xf32, #tpu.memory_space<vmem>> -> memref<1x128x64xf32, #tpu.memory_space<vmem>>
    %dma_wait3A_78 = tpu.memref_squeeze %dma_wait3A_77 : memref<1x128x64xf32, #tpu.memory_space<vmem>> -> memref<128x64xf32, #tpu.memory_space<vmem>>
    %dma_wait3A_79 = arith.constant 0 : i32
    %dma_wait3A_80 = tpu.memref_slice %arg4[%select_n3A_69, %multiple_of3A_73, %dma_wait3A_79] : memref<200x4096x64xf32, #tpu.memory_space<hbm>> -> memref<1x128x64xf32, #tpu.memory_space<hbm>>
    %dma_wait3A_81 = tpu.memref_squeeze %dma_wait3A_80 : memref<1x128x64xf32, #tpu.memory_space<hbm>> -> memref<128x64xf32, #tpu.memory_space<hbm>>
    %dma_wait3A_82 = arith.constant 0 : i32
    %dma_wait3A_83 = tpu.memref_slice %arg4[%select_n3A_69, %multiple_of3A_73, %dma_wait3A_82] : memref<200x4096x64xf32, #tpu.memory_space<hbm>> -> memref<1x128x64xf32, #tpu.memory_space<hbm>>
    %dma_wait3A_84 = tpu.memref_squeeze %dma_wait3A_83 : memref<1x128x64xf32, #tpu.memory_space<hbm>> -> memref<128x64xf32, #tpu.memory_space<hbm>>
    %dma_wait3A_85 = arith.constant 0 : i32
    %dma_wait3A_86 = arith.constant 0 : i32
    %dma_wait3A_87 = tpu.memref_slice %arg6[%dma_wait3A_74, %dma_wait3A_85, %dma_wait3A_86] : memref<8x128x64xf32, #tpu.memory_space<vmem>> -> memref<1x128x64xf32, #tpu.memory_space<vmem>>
    %dma_wait3A_88 = tpu.memref_squeeze %dma_wait3A_87 : memref<1x128x64xf32, #tpu.memory_space<vmem>> -> memref<128x64xf32, #tpu.memory_space<vmem>>
    tpu.wait_dma2 semaphore(%arg16 : memref<!tpu.dma_semaphore, #tpu.memory_space<semaphore_mem>>) src(%dma_wait3A_88 : memref<128x64xf32, #tpu.memory_space<vmem>>) dst(%dma_wait3A_84 : memref<128x64xf32, #tpu.memory_space<hbm>>)
    %add3A_89 = arith.constant 24832 : i32
    %add3A_90 = arith.addi %multiple_of3A, %add3A_89 : i32
    %jit3A_91 = arith.constant 4096 : i32
    %div3A_92 = arith.divsi %add3A_90, %jit3A_91 : i32
    %sign3A_93 = arith.constant 0 : i32
    %sign3A_94 = arith.cmpi sgt, %add3A_90, %sign3A_93 : i32
    %sign3A_95 = arith.extui %sign3A_94 : i1 to i32
    %sign3A_96 = arith.constant 0 : i32
    %sign3A_97 = arith.cmpi slt, %add3A_90, %sign3A_96 : i32
    %sign3A_98 = arith.extui %sign3A_97 : i1 to i32
    %sign3A_99 = arith.subi %sign3A_95, %sign3A_98 : i32
    %sign3A_100 = arith.constant 0 : i32
    %sign3A_101 = arith.cmpi sgt, %jit3A_91, %sign3A_100 : i32
    %sign3A_102 = arith.extui %sign3A_101 : i1 to i32
    %sign3A_103 = arith.constant 0 : i32
    %sign3A_104 = arith.cmpi slt, %jit3A_91, %sign3A_103 : i32
    %sign3A_105 = arith.extui %sign3A_104 : i1 to i32
    %sign3A_106 = arith.subi %sign3A_102, %sign3A_105 : i32
    %ne3A_107 = arith.cmpi ne, %sign3A_99, %sign3A_106 : i32
    %rem3A_108 = arith.remsi %add3A_90, %jit3A_91 : i32
    %ne3A_109 = arith.constant 0 : i32
    %ne3A_110 = arith.cmpi ne, %rem3A_108, %ne3A_109 : i32
    %and3A_111 = arith.andi %ne3A_107, %ne3A_110 : i1
    %sub3A_112 = arith.constant 1 : i32
    %sub3A_113 = arith.subi %div3A_92, %sub3A_112 : i32
    %select_n3A_114 = arith.select %and3A_111, %sub3A_113, %div3A_92 : i32
    %mul3A_115 = arith.constant 4096 : i32
    %mul3A_116 = arith.muli %select_n3A_114, %mul3A_115 : i32
    %sub3A_117 = arith.subi %add3A_90, %mul3A_116 : i32
    %multiple_of3A_118 = tpu.assume_multiple %sub3A_117, 128 : i32
    %dma_wait3A_119 = arith.constant 2 : i32
    %dma_wait3A_120 = arith.constant 0 : i32
    %dma_wait3A_121 = arith.constant 0 : i32
    %dma_wait3A_122 = tpu.memref_slice %arg6[%dma_wait3A_119, %dma_wait3A_120, %dma_wait3A_121] : memref<8x128x64xf32, #tpu.memory_space<vmem>> -> memref<1x128x64xf32, #tpu.memory_space<vmem>>
    %dma_wait3A_123 = tpu.memref_squeeze %dma_wait3A_122 : memref<1x128x64xf32, #tpu.memory_space<vmem>> -> memref<128x64xf32, #tpu.memory_space<vmem>>
    %dma_wait3A_124 = arith.constant 0 : i32
    %dma_wait3A_125 = tpu.memref_slice %arg4[%select_n3A_114, %multiple_of3A_118, %dma_wait3A_124] : memref<200x4096x64xf32, #tpu.memory_space<hbm>> -> memref<1x128x64xf32, #tpu.memory_space<hbm>>
    %dma_wait3A_126 = tpu.memref_squeeze %dma_wait3A_125 : memref<1x128x64xf32, #tpu.memory_space<hbm>> -> memref<128x64xf32, #tpu.memory_space<hbm>>
    %dma_wait3A_127 = arith.constant 0 : i32
    %dma_wait3A_128 = tpu.memref_slice %arg4[%select_n3A_114, %multiple_of3A_118, %dma_wait3A_127] : memref<200x4096x64xf32, #tpu.memory_space<hbm>> -> memref<1x128x64xf32, #tpu.memory_space<hbm>>
    %dma_wait3A_129 = tpu.memref_squeeze %dma_wait3A_128 : memref<1x128x64xf32, #tpu.memory_space<hbm>> -> memref<128x64xf32, #tpu.memory_space<hbm>>
    %dma_wait3A_130 = arith.constant 0 : i32
    %dma_wait3A_131 = arith.constant 0 : i32
    %dma_wait3A_132 = tpu.memref_slice %arg6[%dma_wait3A_119, %dma_wait3A_130, %dma_wait3A_131] : memref<8x128x64xf32, #tpu.memory_space<vmem>> -> memref<1x128x64xf32, #tpu.memory_space<vmem>>
    %dma_wait3A_133 = tpu.memref_squeeze %dma_wait3A_132 : memref<1x128x64xf32, #tpu.memory_space<vmem>> -> memref<128x64xf32, #tpu.memory_space<vmem>>
    tpu.wait_dma2 semaphore(%arg17 : memref<!tpu.dma_semaphore, #tpu.memory_space<semaphore_mem>>) src(%dma_wait3A_133 : memref<128x64xf32, #tpu.memory_space<vmem>>) dst(%dma_wait3A_129 : memref<128x64xf32, #tpu.memory_space<hbm>>)
    %add3A_134 = arith.constant 24960 : i32
    %add3A_135 = arith.addi %multiple_of3A, %add3A_134 : i32
    %jit3A_136 = arith.constant 4096 : i32
    %div3A_137 = arith.divsi %add3A_135, %jit3A_136 : i32
    %sign3A_138 = arith.constant 0 : i32
    %sign3A_139 = arith.cmpi sgt, %add3A_135, %sign3A_138 : i32
    %sign3A_140 = arith.extui %sign3A_139 : i1 to i32
    %sign3A_141 = arith.constant 0 : i32
    %sign3A_142 = arith.cmpi slt, %add3A_135, %sign3A_141 : i32
    %sign3A_143 = arith.extui %sign3A_142 : i1 to i32
    %sign3A_144 = arith.subi %sign3A_140, %sign3A_143 : i32
    %sign3A_145 = arith.constant 0 : i32
    %sign3A_146 = arith.cmpi sgt, %jit3A_136, %sign3A_145 : i32
    %sign3A_147 = arith.extui %sign3A_146 : i1 to i32
    %sign3A_148 = arith.constant 0 : i32
    %sign3A_149 = arith.cmpi slt, %jit3A_136, %sign3A_148 : i32
    %sign3A_150 = arith.extui %sign3A_149 : i1 to i32
    %sign3A_151 = arith.subi %sign3A_147, %sign3A_150 : i32
    %ne3A_152 = arith.cmpi ne, %sign3A_144, %sign3A_151 : i32
    %rem3A_153 = arith.remsi %add3A_135, %jit3A_136 : i32
    %ne3A_154 = arith.constant 0 : i32
    %ne3A_155 = arith.cmpi ne, %rem3A_153, %ne3A_154 : i32
    %and3A_156 = arith.andi %ne3A_152, %ne3A_155 : i1
    %sub3A_157 = arith.constant 1 : i32
    %sub3A_158 = arith.subi %div3A_137, %sub3A_157 : i32
    %select_n3A_159 = arith.select %and3A_156, %sub3A_158, %div3A_137 : i32
    %mul3A_160 = arith.constant 4096 : i32
    %mul3A_161 = arith.muli %select_n3A_159, %mul3A_160 : i32
    %sub3A_162 = arith.subi %add3A_135, %mul3A_161 : i32
    %multiple_of3A_163 = tpu.assume_multiple %sub3A_162, 128 : i32
    %dma_wait3A_164 = arith.constant 3 : i32
    %dma_wait3A_165 = arith.constant 0 : i32
    %dma_wait3A_166 = arith.constant 0 : i32
    %dma_wait3A_167 = tpu.memref_slice %arg6[%dma_wait3A_164, %dma_wait3A_165, %dma_wait3A_166] : memref<8x128x64xf32, #tpu.memory_space<vmem>> -> memref<1x128x64xf32, #tpu.memory_space<vmem>>
    %dma_wait3A_168 = tpu.memref_squeeze %dma_wait3A_167 : memref<1x128x64xf32, #tpu.memory_space<vmem>> -> memref<128x64xf32, #tpu.memory_space<vmem>>
    %dma_wait3A_169 = arith.constant 0 : i32
    %dma_wait3A_170 = tpu.memref_slice %arg4[%select_n3A_159, %multiple_of3A_163, %dma_wait3A_169] : memref<200x4096x64xf32, #tpu.memory_space<hbm>> -> memref<1x128x64xf32, #tpu.memory_space<hbm>>
    %dma_wait3A_171 = tpu.memref_squeeze %dma_wait3A_170 : memref<1x128x64xf32, #tpu.memory_space<hbm>> -> memref<128x64xf32, #tpu.memory_space<hbm>>
    %dma_wait3A_172 = arith.constant 0 : i32
    %dma_wait3A_173 = tpu.memref_slice %arg4[%select_n3A_159, %multiple_of3A_163, %dma_wait3A_172] : memref<200x4096x64xf32, #tpu.memory_space<hbm>> -> memref<1x128x64xf32, #tpu.memory_space<hbm>>
    %dma_wait3A_174 = tpu.memref_squeeze %dma_wait3A_173 : memref<1x128x64xf32, #tpu.memory_space<hbm>> -> memref<128x64xf32, #tpu.memory_space<hbm>>
    %dma_wait3A_175 = arith.constant 0 : i32
    %dma_wait3A_176 = arith.constant 0 : i32
    %dma_wait3A_177 = tpu.memref_slice %arg6[%dma_wait3A_164, %dma_wait3A_175, %dma_wait3A_176] : memref<8x128x64xf32, #tpu.memory_space<vmem>> -> memref<1x128x64xf32, #tpu.memory_space<vmem>>
    %dma_wait3A_178 = tpu.memref_squeeze %dma_wait3A_177 : memref<1x128x64xf32, #tpu.memory_space<vmem>> -> memref<128x64xf32, #tpu.memory_space<vmem>>
    tpu.wait_dma2 semaphore(%arg18 : memref<!tpu.dma_semaphore, #tpu.memory_space<semaphore_mem>>) src(%dma_wait3A_178 : memref<128x64xf32, #tpu.memory_space<vmem>>) dst(%dma_wait3A_174 : memref<128x64xf32, #tpu.memory_space<hbm>>)
    %add3A_179 = arith.constant 25088 : i32
    %add3A_180 = arith.addi %multiple_of3A, %add3A_179 : i32
    %jit3A_181 = arith.constant 4096 : i32
    %div3A_182 = arith.divsi %add3A_180, %jit3A_181 : i32
    %sign3A_183 = arith.constant 0 : i32
    %sign3A_184 = arith.cmpi sgt, %add3A_180, %sign3A_183 : i32
    %sign3A_185 = arith.extui %sign3A_184 : i1 to i32
    %sign3A_186 = arith.constant 0 : i32
    %sign3A_187 = arith.cmpi slt, %add3A_180, %sign3A_186 : i32
    %sign3A_188 = arith.extui %sign3A_187 : i1 to i32
    %sign3A_189 = arith.subi %sign3A_185, %sign3A_188 : i32
    %sign3A_190 = arith.constant 0 : i32
    %sign3A_191 = arith.cmpi sgt, %jit3A_181, %sign3A_190 : i32
    %sign3A_192 = arith.extui %sign3A_191 : i1 to i32
    %sign3A_193 = arith.constant 0 : i32
    %sign3A_194 = arith.cmpi slt, %jit3A_181, %sign3A_193 : i32
    %sign3A_195 = arith.extui %sign3A_194 : i1 to i32
    %sign3A_196 = arith.subi %sign3A_192, %sign3A_195 : i32
    %ne3A_197 = arith.cmpi ne, %sign3A_189, %sign3A_196 : i32
    %rem3A_198 = arith.remsi %add3A_180, %jit3A_181 : i32
    %ne3A_199 = arith.constant 0 : i32
    %ne3A_200 = arith.cmpi ne, %rem3A_198, %ne3A_199 : i32
    %and3A_201 = arith.andi %ne3A_197, %ne3A_200 : i1
    %sub3A_202 = arith.constant 1 : i32
    %sub3A_203 = arith.subi %div3A_182, %sub3A_202 : i32
    %select_n3A_204 = arith.select %and3A_201, %sub3A_203, %div3A_182 : i32
    %mul3A_205 = arith.constant 4096 : i32
    %mul3A_206 = arith.muli %select_n3A_204, %mul3A_205 : i32
    %sub3A_207 = arith.subi %add3A_180, %mul3A_206 : i32
    %multiple_of3A_208 = tpu.assume_multiple %sub3A_207, 128 : i32
    %dma_wait3A_209 = arith.constant 4 : i32
    %dma_wait3A_210 = arith.constant 0 : i32
    %dma_wait3A_211 = arith.constant 0 : i32
    %dma_wait3A_212 = tpu.memref_slice %arg6[%dma_wait3A_209, %dma_wait3A_210, %dma_wait3A_211] : memref<8x128x64xf32, #tpu.memory_space<vmem>> -> memref<1x128x64xf32, #tpu.memory_space<vmem>>
    %dma_wait3A_213 = tpu.memref_squeeze %dma_wait3A_212 : memref<1x128x64xf32, #tpu.memory_space<vmem>> -> memref<128x64xf32, #tpu.memory_space<vmem>>
    %dma_wait3A_214 = arith.constant 0 : i32
    %dma_wait3A_215 = tpu.memref_slice %arg4[%select_n3A_204, %multiple_of3A_208, %dma_wait3A_214] : memref<200x4096x64xf32, #tpu.memory_space<hbm>> -> memref<1x128x64xf32, #tpu.memory_space<hbm>>
    %dma_wait3A_216 = tpu.memref_squeeze %dma_wait3A_215 : memref<1x128x64xf32, #tpu.memory_space<hbm>> -> memref<128x64xf32, #tpu.memory_space<hbm>>
    %dma_wait3A_217 = arith.constant 0 : i32
    %dma_wait3A_218 = tpu.memref_slice %arg4[%select_n3A_204, %multiple_of3A_208, %dma_wait3A_217] : memref<200x4096x64xf32, #tpu.memory_space<hbm>> -> memref<1x128x64xf32, #tpu.memory_space<hbm>>
    %dma_wait3A_219 = tpu.memref_squeeze %dma_wait3A_218 : memref<1x128x64xf32, #tpu.memory_space<hbm>> -> memref<128x64xf32, #tpu.memory_space<hbm>>
    %dma_wait3A_220 = arith.constant 0 : i32
    %dma_wait3A_221 = arith.constant 0 : i32
    %dma_wait3A_222 = tpu.memref_slice %arg6[%dma_wait3A_209, %dma_wait3A_220, %dma_wait3A_221] : memref<8x128x64xf32, #tpu.memory_space<vmem>> -> memref<1x128x64xf32, #tpu.memory_space<vmem>>
    %dma_wait3A_223 = tpu.memref_squeeze %dma_wait3A_222 : memref<1x128x64xf32, #tpu.memory_space<vmem>> -> memref<128x64xf32, #tpu.memory_space<vmem>>
    tpu.wait_dma2 semaphore(%arg19 : memref<!tpu.dma_semaphore, #tpu.memory_space<semaphore_mem>>) src(%dma_wait3A_223 : memref<128x64xf32, #tpu.memory_space<vmem>>) dst(%dma_wait3A_219 : memref<128x64xf32, #tpu.memory_space<hbm>>)
    %add3A_224 = arith.constant 25216 : i32
    %add3A_225 = arith.addi %multiple_of3A, %add3A_224 : i32
    %jit3A_226 = arith.constant 4096 : i32
    %div3A_227 = arith.divsi %add3A_225, %jit3A_226 : i32
    %sign3A_228 = arith.constant 0 : i32
    %sign3A_229 = arith.cmpi sgt, %add3A_225, %sign3A_228 : i32
    %sign3A_230 = arith.extui %sign3A_229 : i1 to i32
    %sign3A_231 = arith.constant 0 : i32
    %sign3A_232 = arith.cmpi slt, %add3A_225, %sign3A_231 : i32
    %sign3A_233 = arith.extui %sign3A_232 : i1 to i32
    %sign3A_234 = arith.subi %sign3A_230, %sign3A_233 : i32
    %sign3A_235 = arith.constant 0 : i32
    %sign3A_236 = arith.cmpi sgt, %jit3A_226, %sign3A_235 : i32
    %sign3A_237 = arith.extui %sign3A_236 : i1 to i32
    %sign3A_238 = arith.constant 0 : i32
    %sign3A_239 = arith.cmpi slt, %jit3A_226, %sign3A_238 : i32
    %sign3A_240 = arith.extui %sign3A_239 : i1 to i32
    %sign3A_241 = arith.subi %sign3A_237, %sign3A_240 : i32
    %ne3A_242 = arith.cmpi ne, %sign3A_234, %sign3A_241 : i32
    %rem3A_243 = arith.remsi %add3A_225, %jit3A_226 : i32
    %ne3A_244 = arith.constant 0 : i32
    %ne3A_245 = arith.cmpi ne, %rem3A_243, %ne3A_244 : i32
    %and3A_246 = arith.andi %ne3A_242, %ne3A_245 : i1
    %sub3A_247 = arith.constant 1 : i32
    %sub3A_248 = arith.subi %div3A_227, %sub3A_247 : i32
    %select_n3A_249 = arith.select %and3A_246, %sub3A_248, %div3A_227 : i32
    %mul3A_250 = arith.constant 4096 : i32
    %mul3A_251 = arith.muli %select_n3A_249, %mul3A_250 : i32
    %sub3A_252 = arith.subi %add3A_225, %mul3A_251 : i32
    %multiple_of3A_253 = tpu.assume_multiple %sub3A_252, 128 : i32
    %dma_wait3A_254 = arith.constant 5 : i32
    %dma_wait3A_255 = arith.constant 0 : i32
    %dma_wait3A_256 = arith.constant 0 : i32
    %dma_wait3A_257 = tpu.memref_slice %arg6[%dma_wait3A_254, %dma_wait3A_255, %dma_wait3A_256] : memref<8x128x64xf32, #tpu.memory_space<vmem>> -> memref<1x128x64xf32, #tpu.memory_space<vmem>>
    %dma_wait3A_258 = tpu.memref_squeeze %dma_wait3A_257 : memref<1x128x64xf32, #tpu.memory_space<vmem>> -> memref<128x64xf32, #tpu.memory_space<vmem>>
    %dma_wait3A_259 = arith.constant 0 : i32
    %dma_wait3A_260 = tpu.memref_slice %arg4[%select_n3A_249, %multiple_of3A_253, %dma_wait3A_259] : memref<200x4096x64xf32, #tpu.memory_space<hbm>> -> memref<1x128x64xf32, #tpu.memory_space<hbm>>
    %dma_wait3A_261 = tpu.memref_squeeze %dma_wait3A_260 : memref<1x128x64xf32, #tpu.memory_space<hbm>> -> memref<128x64xf32, #tpu.memory_space<hbm>>
    %dma_wait3A_262 = arith.constant 0 : i32
    %dma_wait3A_263 = tpu.memref_slice %arg4[%select_n3A_249, %multiple_of3A_253, %dma_wait3A_262] : memref<200x4096x64xf32, #tpu.memory_space<hbm>> -> memref<1x128x64xf32, #tpu.memory_space<hbm>>
    %dma_wait3A_264 = tpu.memref_squeeze %dma_wait3A_263 : memref<1x128x64xf32, #tpu.memory_space<hbm>> -> memref<128x64xf32, #tpu.memory_space<hbm>>
    %dma_wait3A_265 = arith.constant 0 : i32
    %dma_wait3A_266 = arith.constant 0 : i32
    %dma_wait3A_267 = tpu.memref_slice %arg6[%dma_wait3A_254, %dma_wait3A_265, %dma_wait3A_266] : memref<8x128x64xf32, #tpu.memory_space<vmem>> -> memref<1x128x64xf32, #tpu.memory_space<vmem>>
    %dma_wait3A_268 = tpu.memref_squeeze %dma_wait3A_267 : memref<1x128x64xf32, #tpu.memory_space<vmem>> -> memref<128x64xf32, #tpu.memory_space<vmem>>
    tpu.wait_dma2 semaphore(%arg20 : memref<!tpu.dma_semaphore, #tpu.memory_space<semaphore_mem>>) src(%dma_wait3A_268 : memref<128x64xf32, #tpu.memory_space<vmem>>) dst(%dma_wait3A_264 : memref<128x64xf32, #tpu.memory_space<hbm>>)
    %add3A_269 = arith.constant 25344 : i32
    %add3A_270 = arith.addi %multiple_of3A, %add3A_269 : i32
    %jit3A_271 = arith.constant 4096 : i32
    %div3A_272 = arith.divsi %add3A_270, %jit3A_271 : i32
    %sign3A_273 = arith.constant 0 : i32
    %sign3A_274 = arith.cmpi sgt, %add3A_270, %sign3A_273 : i32
    %sign3A_275 = arith.extui %sign3A_274 : i1 to i32
    %sign3A_276 = arith.constant 0 : i32
    %sign3A_277 = arith.cmpi slt, %add3A_270, %sign3A_276 : i32
    %sign3A_278 = arith.extui %sign3A_277 : i1 to i32
    %sign3A_279 = arith.subi %sign3A_275, %sign3A_278 : i32
    %sign3A_280 = arith.constant 0 : i32
    %sign3A_281 = arith.cmpi sgt, %jit3A_271, %sign3A_280 : i32
    %sign3A_282 = arith.extui %sign3A_281 : i1 to i32
    %sign3A_283 = arith.constant 0 : i32
    %sign3A_284 = arith.cmpi slt, %jit3A_271, %sign3A_283 : i32
    %sign3A_285 = arith.extui %sign3A_284 : i1 to i32
    %sign3A_286 = arith.subi %sign3A_282, %sign3A_285 : i32
    %ne3A_287 = arith.cmpi ne, %sign3A_279, %sign3A_286 : i32
    %rem3A_288 = arith.remsi %add3A_270, %jit3A_271 : i32
    %ne3A_289 = arith.constant 0 : i32
    %ne3A_290 = arith.cmpi ne, %rem3A_288, %ne3A_289 : i32
    %and3A_291 = arith.andi %ne3A_287, %ne3A_290 : i1
    %sub3A_292 = arith.constant 1 : i32
    %sub3A_293 = arith.subi %div3A_272, %sub3A_292 : i32
    %select_n3A_294 = arith.select %and3A_291, %sub3A_293, %div3A_272 : i32
    %mul3A_295 = arith.constant 4096 : i32
    %mul3A_296 = arith.muli %select_n3A_294, %mul3A_295 : i32
    %sub3A_297 = arith.subi %add3A_270, %mul3A_296 : i32
    %multiple_of3A_298 = tpu.assume_multiple %sub3A_297, 128 : i32
    %dma_wait3A_299 = arith.constant 6 : i32
    %dma_wait3A_300 = arith.constant 0 : i32
    %dma_wait3A_301 = arith.constant 0 : i32
    %dma_wait3A_302 = tpu.memref_slice %arg6[%dma_wait3A_299, %dma_wait3A_300, %dma_wait3A_301] : memref<8x128x64xf32, #tpu.memory_space<vmem>> -> memref<1x128x64xf32, #tpu.memory_space<vmem>>
    %dma_wait3A_303 = tpu.memref_squeeze %dma_wait3A_302 : memref<1x128x64xf32, #tpu.memory_space<vmem>> -> memref<128x64xf32, #tpu.memory_space<vmem>>
    %dma_wait3A_304 = arith.constant 0 : i32
    %dma_wait3A_305 = tpu.memref_slice %arg4[%select_n3A_294, %multiple_of3A_298, %dma_wait3A_304] : memref<200x4096x64xf32, #tpu.memory_space<hbm>> -> memref<1x128x64xf32, #tpu.memory_space<hbm>>
    %dma_wait3A_306 = tpu.memref_squeeze %dma_wait3A_305 : memref<1x128x64xf32, #tpu.memory_space<hbm>> -> memref<128x64xf32, #tpu.memory_space<hbm>>
    %dma_wait3A_307 = arith.constant 0 : i32
    %dma_wait3A_308 = tpu.memref_slice %arg4[%select_n3A_294, %multiple_of3A_298, %dma_wait3A_307] : memref<200x4096x64xf32, #tpu.memory_space<hbm>> -> memref<1x128x64xf32, #tpu.memory_space<hbm>>
    %dma_wait3A_309 = tpu.memref_squeeze %dma_wait3A_308 : memref<1x128x64xf32, #tpu.memory_space<hbm>> -> memref<128x64xf32, #tpu.memory_space<hbm>>
    %dma_wait3A_310 = arith.constant 0 : i32
    %dma_wait3A_311 = arith.constant 0 : i32
    %dma_wait3A_312 = tpu.memref_slice %arg6[%dma_wait3A_299, %dma_wait3A_310, %dma_wait3A_311] : memref<8x128x64xf32, #tpu.memory_space<vmem>> -> memref<1x128x64xf32, #tpu.memory_space<vmem>>
    %dma_wait3A_313 = tpu.memref_squeeze %dma_wait3A_312 : memref<1x128x64xf32, #tpu.memory_space<vmem>> -> memref<128x64xf32, #tpu.memory_space<vmem>>
    tpu.wait_dma2 semaphore(%arg21 : memref<!tpu.dma_semaphore, #tpu.memory_space<semaphore_mem>>) src(%dma_wait3A_313 : memref<128x64xf32, #tpu.memory_space<vmem>>) dst(%dma_wait3A_309 : memref<128x64xf32, #tpu.memory_space<hbm>>)
    %add3A_314 = arith.constant 25472 : i32
    %add3A_315 = arith.addi %multiple_of3A, %add3A_314 : i32
    %jit3A_316 = arith.constant 4096 : i32
    %div3A_317 = arith.divsi %add3A_315, %jit3A_316 : i32
    %sign3A_318 = arith.constant 0 : i32
    %sign3A_319 = arith.cmpi sgt, %add3A_315, %sign3A_318 : i32
    %sign3A_320 = arith.extui %sign3A_319 : i1 to i32
    %sign3A_321 = arith.constant 0 : i32
    %sign3A_322 = arith.cmpi slt, %add3A_315, %sign3A_321 : i32
    %sign3A_323 = arith.extui %sign3A_322 : i1 to i32
    %sign3A_324 = arith.subi %sign3A_320, %sign3A_323 : i32
    %sign3A_325 = arith.constant 0 : i32
    %sign3A_326 = arith.cmpi sgt, %jit3A_316, %sign3A_325 : i32
    %sign3A_327 = arith.extui %sign3A_326 : i1 to i32
    %sign3A_328 = arith.constant 0 : i32
    %sign3A_329 = arith.cmpi slt, %jit3A_316, %sign3A_328 : i32
    %sign3A_330 = arith.extui %sign3A_329 : i1 to i32
    %sign3A_331 = arith.subi %sign3A_327, %sign3A_330 : i32
    %ne3A_332 = arith.cmpi ne, %sign3A_324, %sign3A_331 : i32
    %rem3A_333 = arith.remsi %add3A_315, %jit3A_316 : i32
    %ne3A_334 = arith.constant 0 : i32
    %ne3A_335 = arith.cmpi ne, %rem3A_333, %ne3A_334 : i32
    %and3A_336 = arith.andi %ne3A_332, %ne3A_335 : i1
    %sub3A_337 = arith.constant 1 : i32
    %sub3A_338 = arith.subi %div3A_317, %sub3A_337 : i32
    %select_n3A_339 = arith.select %and3A_336, %sub3A_338, %div3A_317 : i32
    %mul3A_340 = arith.constant 4096 : i32
    %mul3A_341 = arith.muli %select_n3A_339, %mul3A_340 : i32
    %sub3A_342 = arith.subi %add3A_315, %mul3A_341 : i32
    %multiple_of3A_343 = tpu.assume_multiple %sub3A_342, 128 : i32
    %dma_wait3A_344 = arith.constant 7 : i32
    %dma_wait3A_345 = arith.constant 0 : i32
    %dma_wait3A_346 = arith.constant 0 : i32
    %dma_wait3A_347 = tpu.memref_slice %arg6[%dma_wait3A_344, %dma_wait3A_345, %dma_wait3A_346] : memref<8x128x64xf32, #tpu.memory_space<vmem>> -> memref<1x128x64xf32, #tpu.memory_space<vmem>>
    %dma_wait3A_348 = tpu.memref_squeeze %dma_wait3A_347 : memref<1x128x64xf32, #tpu.memory_space<vmem>> -> memref<128x64xf32, #tpu.memory_space<vmem>>
    %dma_wait3A_349 = arith.constant 0 : i32
    %dma_wait3A_350 = tpu.memref_slice %arg4[%select_n3A_339, %multiple_of3A_343, %dma_wait3A_349] : memref<200x4096x64xf32, #tpu.memory_space<hbm>> -> memref<1x128x64xf32, #tpu.memory_space<hbm>>
    %dma_wait3A_351 = tpu.memref_squeeze %dma_wait3A_350 : memref<1x128x64xf32, #tpu.memory_space<hbm>> -> memref<128x64xf32, #tpu.memory_space<hbm>>
    %dma_wait3A_352 = arith.constant 0 : i32
    %dma_wait3A_353 = tpu.memref_slice %arg4[%select_n3A_339, %multiple_of3A_343, %dma_wait3A_352] : memref<200x4096x64xf32, #tpu.memory_space<hbm>> -> memref<1x128x64xf32, #tpu.memory_space<hbm>>
    %dma_wait3A_354 = tpu.memref_squeeze %dma_wait3A_353 : memref<1x128x64xf32, #tpu.memory_space<hbm>> -> memref<128x64xf32, #tpu.memory_space<hbm>>
    %dma_wait3A_355 = arith.constant 0 : i32
    %dma_wait3A_356 = arith.constant 0 : i32
    %dma_wait3A_357 = tpu.memref_slice %arg6[%dma_wait3A_344, %dma_wait3A_355, %dma_wait3A_356] : memref<8x128x64xf32, #tpu.memory_space<vmem>> -> memref<1x128x64xf32, #tpu.memory_space<vmem>>
    %dma_wait3A_358 = tpu.memref_squeeze %dma_wait3A_357 : memref<1x128x64xf32, #tpu.memory_space<vmem>> -> memref<128x64xf32, #tpu.memory_space<vmem>>
    tpu.wait_dma2 semaphore(%arg22 : memref<!tpu.dma_semaphore, #tpu.memory_space<semaphore_mem>>) src(%dma_wait3A_358 : memref<128x64xf32, #tpu.memory_space<vmem>>) dst(%dma_wait3A_354 : memref<128x64xf32, #tpu.memory_space<hbm>>)
    return
  }
}

</mosaic_0001>

<sc_bundles>
// kernel: kernel.3.cloned.1.call-start
scs
__scs_entry_jumppad:
0x0: {  	(pc) =	sbr.rel $0x88, $3  }
0x1: {  	(tag) =	ssettag $0x0;
	lr =	simm.s32 $0x1  }
0x2: {  	[smem:$0x3F9F] =	sst lr;
	_ =	strace $0xD0000000  }
0x3: {  	_ = 	snop  }
0x4: {  	_ = 	snop  }
0x5: {  	_ = 	snop  }
0x6: {  	_ = 	snop  }
0x7: {  	_ = 	snop  }
__scs_overlays_trampoline_lowered:
0x8: {  	[smem:$0x3FAE] =	sst s0  }
0x9: {  	[smem:$0x3FAF] =	sst s1  }
0xa: {  	[smem:$0x3FB0] =	sst s2  }
0xb: {  	[smem:$0x3FB1] =	sst s3  }
0xc: {  	[smem:$0x3FB2] =	sst s4  }
0xd: {  	[smem:$0x3FB3] =	sst s5  }
0xe: {  	[smem:$0x3FB4] =	sst s6  }
0xf: {  	[smem:$0x3FB5] =	sst s7  }
0x10: {  	[smem:$0x3FB6] =	sst s8  }
0x11: {  	[smem:$0x3FB7] =	sst s9;
	s0 =	simm.s32 @!p0 $0x0  }
0x12: {  	s1 =	sld [smem:$0x3F9D];
	s0 =	simm.s32 @p0 $0x1  }
0x13: {  	[smem:$0x3FB8] =	sst s0;
	s0 =	simm.s32 @!p1 $0x0  }
0x14: {  	s2 =	sld [smem:$0x3F9C];
	s0 =	simm.s32 @p1 $0x1  }
0x15: {  	[smem:$0x3FB9] =	sst s0;
	s0 =	simm.s32 @!p2 $0x0  }
0x16: {  	s3 =	sld [smem:$0x3FDB];
	s0 =	simm.s32 @p2 $0x1  }
0x17: {  	s4 =	simm.s32 $0x1BF5;
	[smem:$0x3FBB] =	sst s0  }
0x18: {  	s0 =	sld [smem:$0x3F9E];
	_ =	swait.ge [sflag:s4], $0x0  }
0x19: {  	s7 =	sld [smem:$0x3F9F]  }
0x1a: {  	s8 =	sadd.s32 $0xFFFFE003, lr  }
0x1b: {  	s9 =	sadd.s32 $0xFFFFFEF7, lr;
	s5 =	simm.s32 $0xFFFFFFFF;
	p2 =	slt.u32 s8, $0xFFFFF086  }
0x1c: {  	p1 =	slt.u32 s9, $0xF7A;
	s5 =	simm.s32 @!p2 $0x0  }
0x1d: {  	s5 =	simm.s32 @p1 $0x1;
	p0 =	seq.s32 s7, s2  }
0x1e: {  	s7 =	smul.u32 @!p0 $0xF7A, s2;
	p2 =	seq.s32 @!p0 s5, $0x0  }
0x1f: {  	s9 =	smul.u32 $0xF7A, s1;
	s8 =	simm.s32 @!p0 $0x1BF5;
	p2 =	por !p2, p0  }
0x20: {  	[sflag:s8] =	ssyncset.s32 @!p0 $0xFFFFF086;
	s6 =	sadd.s32 @!p0 s3, s7;
	s7 =	simm.s32 @!p0 $0x108  }
0x21: {  	s3 =	sadd.s32 s3, s9;
	s6 =	sadd.s32 @!p0 $0x88, s6;
	s7 =	simm.s32 @p2 $0x1082  }
0x22: {  	[simem:s7], [sflag:s8] =	dma.local @!p0 [hbm:s6], $0xF7A  }
0x23: {  	s9 =	sor.u32 $0xD0000000, s2;
	s6 =	simm.s32 $0x108;
	_ =	swait.ge @!p0 [sflag:s8], $0x0  }
0x24: {  	s3 =	sadd.s32 $0x88, s3;
	s6 =	simm.s32 @!p1 $0x1082;
	[sflag:s4] =	ssyncset.s32 $0xFFFFF086  }
0x25: {  	[simem:s6], [sflag:s4] =	dma.local [hbm:s3], $0xF7A  }
0x26: {  	[smem:$0x3F9F] =	sst s1;
	(tag) =	ssettag s2;
	_ =	strace s9  }
0x27: {  	s1 =	sld [smem:$0x3FAF]  }
0x28: {  	s2 =	sld [smem:$0x3FB0]  }
0x29: {  	s4 =	sld [smem:$0x3FB2]  }
0x2a: {  	p0 =	seq.s32 s5, $0x0;
	s5 =	sld [smem:$0x3FB3]  }
0x2b: {  	s6 =	sld [smem:$0x3FB4]  }
0x2c: {  	s7 =	sld [smem:$0x3FB5]  }
0x2d: {  	s3 =	simm.s32 $0x108;
	s8 =	sld [smem:$0x3FB6]  }
0x2e: {  	s3 =	simm.s32 @!p0 $0x1082;
	s9 =	sld [smem:$0x3FB7]  }
0x2f: {  	lr =	sadd.s32 s0, s3;
	s0 =	sld [smem:$0x3FAE]  }
0x30: {  	s3 =	sld [smem:$0x3FB1]  }
0x31: {  	[smem:$0x3FBA] =	sst s10  }
0x32: {  	s10 =	sld [smem:$0x3FB8];
	_ =	sdelay $0x3  }
0x33: {  	p0 =	seq.s32 s10, $0x1;
	s10 =	sld [smem:$0x3FBA];
	_ =	sdelay $0x3  }
0x34: {  	[smem:$0x3FBA] =	sst s10  }
0x35: {  	s10 =	sld [smem:$0x3FB9];
	_ =	sdelay $0x3  }
0x36: {  	p1 =	seq.s32 s10, $0x1;
	s10 =	sld [smem:$0x3FBA];
	_ =	sdelay $0x3  }
0x37: {  	[smem:$0x3FBA] =	sst s10  }
0x38: {  	s10 =	sld [smem:$0x3FBB]  }
0x39: {  	_ = 	snop;
	(pc) =	sbr.ind lr, $3  }
0x3a: {  	_ = 	snop  }
0x3b: {  	_ = 	snop  }
0x3c: {  	p2 =	seq.s32 s10, $0x1;
	s10 =	sld [smem:$0x3FBA]  }
0x3d: {  	_ =	shalt  }
0x3e: {  	_ =	shalt  }
0x3f: {  	_ =	shalt  }
0x40: {  	_ =	shalt  }
0x41: {  	_ =	shalt  }
0x42: {  	_ =	shalt  }
0x43: {  	_ =	shalt  }
0x44: {  	_ =	shalt  }
0x45: {  	_ =	shalt  }
0x46: {  	_ =	shalt  }
0x47: {  	_ =	shalt  }
0x48: {  	_ =	shalt  }
0x49: {  	_ =	shalt  }
0x4a: {  	_ =	shalt  }
0x4b: {  	_ =	shalt  }
0x4c: {  	_ =	shalt  }
0x4d: {  	_ =	shalt  }
0x4e: {  	_ =	shalt  }
0x4f: {  	_ =	shalt  }
0x50: {  	_ =	shalt  }
0x51: {  	_ =	shalt  }
0x52: {  	_ =	shalt  }
0x53: {  	_ =	shalt  }
0x54: {  	_ =	shalt  }
0x55: {  	_ =	shalt  }
0x56: {  	_ =	shalt  }
0x57: {  	_ =	shalt  }
0x58: {  	_ =	shalt  }
0x59: {  	_ =	shalt  }
0x5a: {  	_ =	shalt  }
0x5b: {  	_ =	shalt  }
0x5c: {  	_ =	shalt  }
0x5d: {  	_ =	shalt  }
0x5e: {  	_ =	shalt  }
0x5f: {  	_ =	shalt  }
0x60: {  	_ =	shalt  }
0x61: {  	_ =	shalt  }
0x62: {  	_ =	shalt  }
0x63: {  	_ =	shalt  }
0x64: {  	_ =	shalt  }
0x65: {  	_ =	shalt  }
0x66: {  	_ =	shalt  }
0x67: {  	_ =	shalt  }
0x68: {  	_ =	shalt  }
0x69: {  	_ =	shalt  }
0x6a: {  	_ =	shalt  }
0x6b: {  	_ =	shalt  }
0x6c: {  	_ =	shalt  }
0x6d: {  	_ =	shalt  }
0x6e: {  	_ =	shalt  }
0x6f: {  	_ =	shalt  }
0x70: {  	_ =	shalt  }
0x71: {  	_ =	shalt  }
0x72: {  	_ =	shalt  }
0x73: {  	_ =	shalt  }
0x74: {  	_ =	shalt  }
0x75: {  	_ =	shalt  }
0x76: {  	_ =	shalt  }
0x77: {  	_ =	shalt  }
0x78: {  	_ =	shalt  }
0x79: {  	_ =	shalt  }
0x7a: {  	_ =	shalt  }
0x7b: {  	_ =	shalt  }
0x7c: {  	_ =	shalt  }
0x7d: {  	_ =	shalt  }
0x7e: {  	_ =	shalt  }
0x7f: {  	_ =	shalt  }
0x80: {  	_ =	shalt  }
0x81: {  	_ =	shalt  }
0x82: {  	_ =	shalt  }
0x83: {  	_ =	shalt  }
0x84: {  	_ =	shalt  }
0x85: {  	_ =	shalt  }
0x86: {  	_ =	shalt  }
0x87: {  	_ =	shalt  }
.Lfunc_end0:
.L_simem_size_0:
called_computation.1_lowered:
.L_overlay_start_0:
0x88: {  	s2 =	sld [smem:$0x3FD9]  }
0x89: {  	s3 =	sld [smem:$0x3FFE];
	_ =	sdelay $0x1  }
0x8a: {  	s1 =	srdreg.scid  }
0x8b: {  	s0 =	sand.u32 $0x1, s1  }
0x8c: {  	s17 =	sshll.u32 s0, $0xA;
	s2 =	sadd.s32 s3, s2  }
0x8d: {  	s2 =	sadd.s32 s2, s17  }
0x8e: {  	[smem:$0x3FC6] =	sst s2  }
0x8f: {  	_ = 	snop  }
0x90: {  	s2 =	sld [smem:$0x3FD0];
	(tm) =	ssettm $0x1  }
0x91: {  	s18 =	sld [smem:$0x3FFB];
	_ =	sdelay $0x3  }
0x92: {  	_ =	strace s18  }
0x93: {  	s3 =	sld [smem:$0x3FFC];
	_ =	sdelay $0x3  }
0x94: {  	_ =	strace s3  }
0x95: {  	s3 =	sld [smem:$0x3FFD];
	_ =	sdelay $0x3  }
0x96: {  	_ =	strace s3  }
0x97: {  	_ =	strace $0x8FFFFFFF  }
0x98: {  	s19 =	sld [smem:$0x3FDB];
	_ =	sdelay $0x1  }
0x99: {  	s4 =	simm.s32 $_scs_section_size  }
0x9a: {  	s5 =	simm.s32 $_size__tile_overlayer_lowered;
	s6 =	simm.s32 $_tile_overlayer_lowered  }
0x9b: {  	s22 =	simm.s32 $0x1BFF;
	s21 =	sshll.u32 s6, $0x1;
	s3 =	sadd.s32 s4, s19  }
0x9c: {  	s7 =	simm.s32 $0x0;
	s20 =	sshll.u32 s5, $0x1;
	s5 =	sadd.s32 s21, s3  }
0x9d: {  	[timem:s7], [sflag:s22] =	dma.local [hbm:s5], s20  }
0x9e: {  	_ =	swait.ge [sflag:s22], s20  }
0x9f: {  	s4 =	ssub.s32 $0x0, s20;
	[sflag:s22] =	ssyncset.done $0x0  }
0xa0: {  	[sflag:s22] =	ssyncadd.s32 s4;
	_ =	sdelay $0x1  }
0xa1: {  	s23 =	simm.s32 $0x1B8B  }
0xa2: {  	_ =	swait.ge [sflag:s23], $0x1  }
0xa3: {  	[sflag:s23] =	ssyncset.done $0x0  }
0xa4: {  	s25 =	simm.s32 $0x1B8E;
	s24 =	sld [smem:$0x3FFE];
	[sflag:s23] =	ssyncadd.s32 $0xFFFFFFFF  }
0xa5: {  	s26 =	simm.s32 $execute0_lowered;
	[smem:$0x3FD2] =	sst s25  }
0xa6: {  	s5 =	sshll.u32 s26, $0x1;
	_ =	strace $0x80000046;
	[dreg:$0x1] =	wrdreg $0xFFFFFFFF  }
0xa7: {  	s28 =	simm.s32 $_size_execute0_lowered;
	s3 =	sadd.s32 s3, s5;
	[dreg:$0x0] =	wrdreg $0x0  }
0xa8: {  	s5 =	sshll.u32 s28, $0x1;
	[dreg:$0x2] =	wrdreg s3  }
0xa9: {  	[dreg:$0x3] =	wrdreg s5  }
0xaa: {  	[dreg:$0x4] =	wrdreg $0xC0  }
0xab: {  	_ =	task [dreg:s7], $0x5FFFF  }
0xac: {  	[dreg:$0x1] =	wrdreg $0xFFFFFFFF  }
0xad: {  	[dreg:$0x0] =	wrdreg $0x60  }
0xae: {  	[dreg:$0x2] =	wrdreg s24  }
0xaf: {  	[dreg:$0x3] =	wrdreg s2  }
0xb0: {  	[dreg:$0x4] =	wrdreg $0x9  }
0xb1: {  	_ =	task.clear_ibuf [dreg:s7], $0x5FFFF;
	_ =	strace $0x90000046  }
0xb2: {  	s29 =	simm.s32 $0x9;
	_ =	strace $0x80000048  }
0xb3: {  	_ =	swait.ge [sflag:s29], $0x1  }
0xb4: {  	[sflag:s29] =	ssyncadd.s32 $0xFFFFFFFF  }
0xb5: {  	_ =	strace $0x90000048  }
0xb6: {  	_ =	sfence  }
0xb7: {  	s30 =	sld [smem:$0x0];
	_ =	sdelay $0x2  }
0xb8: {  	s31 =	sshll.u32 s1, $0xD;
	s1 =	sshrl.u32 s1, $0x2  }
0xb9: {  	s3 =	sand.u32 $0x4000, s31;
	s1 =	sadd.s32 s1, s30  }
0xba: {  	s0 =	sor.u32 s3, s0;
	s1 =	sshll.u32 s1, $0x11  }
0xbb: {  	s0 =	sor.u32 s1, s0  }
0xbc: {  	s0 =	sadd.s32 $0x8F2B, s0  }
0xbd: {  	[sflag:s0] =	ssyncadd.remote.s32 $0x1  }
0xbe: {  	_ =	sfence.sel $0xFFFF  }
0xbf: {  	[dreg:$0x0] =	wrdreg $0xFFFFFFFF;
	(pc) =	sbr.abs _section_cstart, $3  }
0xc0: {  	[dreg:$0x1] =	wrdreg $0xFFFFFFFF  }
0xc1: {  	_ =	task.clear_ibuf [dreg:s7], $0x2FFFF;
	_ =	strace $0x9FFFFFFF  }
0xc2: {  	(tm) =	ssettm $0x7FFFFFFF  }
0xc3: {  	_ =	shalt  }
tec
execute0_lowered:
.L_overlay_start_1:
0x0: {  	(tag) =	ssettag $0x1  }
0x1: {  	s0 =	srdreg.scid;
	s1 =	rddreg [dreg:$0x0]  }
0x2: {  	s9 =	stileid.u32;
	s2 =	rddreg [dreg:$0x1]  }
0x3: {  	s22 =	simm.s32 $0x80;
	s10 =	simm.s32 $0x14400;
	s23 =	simm.s32 $0x6400  }
0x4: {  	s11 =	simm.s32 $0x1;
	s24 =	simm.s32 $0x8400;
	s12 =	simm.s32 $0x2  }
0x5: {  	s25 =	simm.s32 $0xA400;
	s13 =	simm.s32 $0x3;
	s26 =	simm.s32 $0xC400  }
0x6: {  	s14 =	simm.s32 $0x4;
	s0 =	sand.u32 $0x1, s0;
	s3 =	sshll.u32 s9, $0x1  }
0x7: {  	s29 =	simm.s32 $0xE400;
	s4 =	sor.u32 s0, s3;
	s3 =	simm.s32 $0x0  }
0x8: {  	s15 =	simm.s32 $0x5;
	s30 =	simm.s32 $0x10400;
	[smem:$0x7FF] =	sst s3  }
0x9: {  	s16 =	simm.s32 $0x6;
	_ =	strace $0x80000047;
	[dreg:$0x3] =	wrdreg s22  }
0xa: {  	s31 =	simm.s32 $0x12400;
	s17 =	simm.s32 $0x7;
	[dreg:$0x4] =	wrdreg s23  }
0xb: {  	s18 =	simm.s32 $0x8;
	s9 =	smul.u32 $0x64000, s9;
	[dreg:$0x5] =	wrdreg s24  }
0xc: {  	s6 =	ssub.s32 $0x2, s0;
	s0 =	smul.u32 $0x32000, s0;
	[dreg:$0x6] =	wrdreg s25  }
0xd: {  	s28 =	simm.s32 $0x0;
	s4 =	smul.u32 $0x6400, s4;
	[dreg:$0x7] =	wrdreg s26  }
0xe: {  	s8 =	sshrl.u32 s6, $0x1;
	s21 =	sadd.s32 s9, s2;
	[dreg:$0x8] =	wrdreg s29  }
0xf: {  	s19 =	ssub.s32 s6, s8;
	s8 =	sadd.s32 s0, s21;
	[dreg:$0x9] =	wrdreg s30  }
0x10: {  	[dreg:$0xa] =	wrdreg s31;
	s21 =	simm.s32 $0xB;
	s22 =	simm.s32 $0xC  }
0x11: {  	s23 =	simm.s32 $0xD;
	s24 =	simm.s32 $0xE;
	s5 =	sshrl.u32 s4, $0x3  }
0x12: {  	s7 =	sadd.s32 s5, s1;
	s5 =	sadd.s32 $0xF42E00, s1;
	s1 =	smax.u32 s19, $0x1  }
0x13: {  	s25 =	simm.s32 $0xF;
	s20 =	sadd.s32 $0xA00, s7;
	[dreg:$0xc] =	wrdreg s1  }
0x14: {  	s26 =	simm.s32 $0x10;
	[dreg:$0xb] =	wrdreg s20;
	s20 =	simm.s32 $0xA  }
.LBB2_1:
0x15: {  	s0 =	rddreg [dreg:$0xb];
	s9 =	simm.s32 $0x11  }
0x16: {  	[tilespmem:s3], [sflag:$0x11] =	stream.linear.gather [hbm4b:s0+s3], $0x6400, $0x38;
	[tilespmem:$0x16400] =	vst v63  }
0x17: {  	_ =	swait.ge [sflag:s9], $0x6400  }
0x18: {  	p0 =	por $0x0, $0x0;
	[sflag:s9] =	ssyncset.done $0x0  }
0x19: {  	s0 =	simm.s32 @p0 $0x9;
	[sflag:s9] =	ssyncadd.s32 $0xFFFF9C00  }
0x1a: {  	_ =	swait.ge @p0 [sflag:s0], $0x2000  }
0x1b: {  	s1 =	simm.s32 @p0 $0xA;
	[sflag:s0] =	ssyncset.done @p0 $0x0  }
0x1c: {  	s6 =	simm.s32 @p0 $0x6400;
	[sflag:s0] =	ssyncadd.s32 @p0 $0xFFFFE000;
	s0 =	simm.s32 @p0 $0x80  }
0x1d: {  	[tilespmem:s6], [sflag:$0x1] =	stream.indirect.gather @p0 [hbm4b:s5+s0], $0x40, s3, s0, $0xb8;
	[tilespmem:$0x16400] =	vst v63  }
0x1e: {  	_ =	swait.ge @p0 [sflag:s1], $0x2000  }
0x1f: {  	s29 =	simm.s32 @p0 $0x8400;
	[sflag:s1] =	ssyncset.done @p0 $0x0  }
0x20: {  	s6 =	simm.s32 @p0 $0xB;
	[sflag:s1] =	ssyncadd.s32 @p0 $0xFFFFE000;
	s1 =	simm.s32 @p0 $0x80  }
0x21: {  	[tilespmem:s29], [sflag:$0x2] =	stream.indirect.gather @p0 [hbm4b:s5+s0], $0x40, s1, s0, $0xb8;
	[tilespmem:$0x16400] =	vst v63  }
0x22: {  	_ =	swait.ge @p0 [sflag:s6], $0x2000  }
0x23: {  	s1 =	simm.s32 @p0 $0xC;
	[sflag:s6] =	ssyncset.done @p0 $0x0  }
0x24: {  	s29 =	simm.s32 @p0 $0xA400;
	[sflag:s6] =	ssyncadd.s32 @p0 $0xFFFFE000;
	s6 =	simm.s32 @p0 $0x100  }
0x25: {  	[tilespmem:s29], [sflag:$0x3] =	stream.indirect.gather @p0 [hbm4b:s5+s0], $0x40, s6, s0, $0xb8;
	[tilespmem:$0x16400] =	vst v63  }
0x26: {  	_ =	swait.ge @p0 [sflag:s1], $0x2000  }
0x27: {  	s6 =	simm.s32 @p0 $0xD;
	[sflag:s1] =	ssyncset.done @p0 $0x0  }
0x28: {  	s29 =	simm.s32 @p0 $0xC400;
	[sflag:s1] =	ssyncadd.s32 @p0 $0xFFFFE000;
	s1 =	simm.s32 @p0 $0x180  }
0x29: {  	[tilespmem:s29], [sflag:$0x4] =	stream.indirect.gather @p0 [hbm4b:s5+s0], $0x40, s1, s0, $0xb8;
	[tilespmem:$0x16400] =	vst v63  }
0x2a: {  	_ =	swait.ge @p0 [sflag:s6], $0x2000  }
0x2b: {  	s1 =	simm.s32 @p0 $0xE;
	[sflag:s6] =	ssyncset.done @p0 $0x0  }
0x2c: {  	s29 =	simm.s32 @p0 $0xE400;
	[sflag:s6] =	ssyncadd.s32 @p0 $0xFFFFE000;
	s6 =	simm.s32 @p0 $0x200  }
0x2d: {  	[tilespmem:s29], [sflag:$0x5] =	stream.indirect.gather @p0 [hbm4b:s5+s0], $0x40, s6, s0, $0xb8;
	[tilespmem:$0x16400] =	vst v63  }
0x2e: {  	_ =	swait.ge @p0 [sflag:s1], $0x2000  }
0x2f: {  	s6 =	simm.s32 @p0 $0xF;
	[sflag:s1] =	ssyncset.done @p0 $0x0  }
0x30: {  	s29 =	simm.s32 @p0 $0x10400;
	[sflag:s1] =	ssyncadd.s32 @p0 $0xFFFFE000;
	s1 =	simm.s32 @p0 $0x280  }
0x31: {  	[tilespmem:s29], [sflag:$0x6] =	stream.indirect.gather @p0 [hbm4b:s5+s0], $0x40, s1, s0, $0xb8;
	[tilespmem:$0x16400] =	vst v63  }
0x32: {  	_ =	swait.ge @p0 [sflag:s6], $0x2000  }
0x33: {  	s1 =	simm.s32 @p0 $0x10;
	[sflag:s6] =	ssyncset.done @p0 $0x0  }
0x34: {  	s29 =	simm.s32 @p0 $0x12400;
	[sflag:s6] =	ssyncadd.s32 @p0 $0xFFFFE000;
	s6 =	simm.s32 @p0 $0x300  }
0x35: {  	[tilespmem:s29], [sflag:$0x7] =	stream.indirect.gather @p0 [hbm4b:s5+s0], $0x40, s6, s0, $0xb8;
	[tilespmem:$0x16400] =	vst v63  }
0x36: {  	_ =	swait.ge @p0 [sflag:s1], $0x2000  }
0x37: {  	[sflag:s1] =	ssyncset.done @p0 $0x0  }
0x38: {  	s0 =	simm.s32 @!p0 $0x6400;
	[sflag:s1] =	ssyncadd.s32 @p0 $0xFFFFE000;
	s1 =	simm.s32 @!p0 $0x80  }
0x39: {  	[tilespmem:s0], [sflag:$0x1] =	stream.indirect.gather @!p0 [hbm4b:s5+s1], $0x40, s3, s1, $0xb8;
	[tilespmem:$0x16400] =	vst v63  }
0x3a: {  	s0 =	simm.s32 @!p0 $0x8400  }
0x3b: {  	[tilespmem:s0], [sflag:$0x2] =	stream.indirect.gather @!p0 [hbm4b:s5+s1], $0x40, s1, s1, $0xb8;
	[tilespmem:$0x16400] =	vst v63  }
0x3c: {  	s6 =	simm.s32 @!p0 $0xA400;
	s0 =	simm.s32 @!p0 $0x100  }
0x3d: {  	[tilespmem:s6], [sflag:$0x3] =	stream.indirect.gather @!p0 [hbm4b:s5+s1], $0x40, s0, s1, $0xb8;
	[tilespmem:$0x16400] =	vst v63  }
0x3e: {  	s0 =	simm.s32 @!p0 $0x180;
	s6 =	simm.s32 @!p0 $0xC400  }
0x3f: {  	[tilespmem:s6], [sflag:$0x4] =	stream.indirect.gather @!p0 [hbm4b:s5+s1], $0x40, s0, s1, $0xb8;
	[tilespmem:$0x16400] =	vst v63  }
0x40: {  	s0 =	simm.s32 @!p0 $0x200;
	s6 =	simm.s32 @!p0 $0xE400  }
0x41: {  	[tilespmem:s6], [sflag:$0x5] =	stream.indirect.gather @!p0 [hbm4b:s5+s1], $0x40, s0, s1, $0xb8;
	[tilespmem:$0x16400] =	vst v63  }
0x42: {  	s29 =	simm.s32 @!p0 $0x10400;
	s6 =	simm.s32 @!p0 $0x280  }
0x43: {  	[tilespmem:s29], [sflag:$0x6] =	stream.indirect.gather @!p0 [hbm4b:s5+s1], $0x40, s6, s1, $0xb8;
	[tilespmem:$0x16400] =	vst v63  }
0x44: {  	s0 =	simm.s32 $0x380;
	s6 =	simm.s32 @!p0 $0x300;
	s29 =	simm.s32 @!p0 $0x12400  }
0x45: {  	[tilespmem:s29], [sflag:$0x7] =	stream.indirect.gather @!p0 [hbm4b:s5+s1], $0x40, s6, s1, $0xb8;
	[tilespmem:$0x16400] =	vst v63  }
0x46: {  	s30 =	rddreg [dreg:$0x3];
	s0 =	simm.s32 @!p0 $0x380  }
0x47: {  	[tilespmem:s10], [sflag:$0x8] =	stream.indirect.gather [hbm4b:s5+s30], $0x40, s0, s30, $0xb8;
	[tilespmem:$0x16400] =	vst v63  }
0x48: {  	s31 =	simm.s32 $0x400;
	_ =	swait.ge [sflag:s11], $0x2000  }
0x49: {  	s6 =	simm.s32 @p0 $0x80;
	s29 =	simm.s32 @p0 $0x100;
	[sflag:s11] =	ssyncset.done $0x0  }
0x4a: {  	s6 =	simm.s32 @!p0 $0x80;
	s19 =	rddreg [dreg:$0x4];
	[sflag:s11] =	ssyncadd.s32 $0xFFFFE000  }
0x4b: {  	[hbm4b:s8+s3] =	stream.linear.scatter [tilespmem:s19], [sflag:$0x9], $0x2000, $0x38;
	[tilespmem:$0x16400] =	vst v63  }
0x4c: {  	s29 =	simm.s32 @!p0 $0x100;
	s6 =	sadd.s32 s4, s6;
	_ =	swait.ge [sflag:s12], $0x2000  }
0x4d: {  	s9 =	sadd.s32 s4, s29;
	s1 =	sshll.u32 s6, $0x3;
	[sflag:s12] =	ssyncset.done $0x0  }
0x4e: {  	s1 =	sadd.s32 s2, s1;
	s7 =	rddreg [dreg:$0x5];
	[sflag:s12] =	ssyncadd.s32 $0xFFFFE000  }
0x4f: {  	[hbm4b:s1+s3] =	stream.linear.scatter [tilespmem:s7], [sflag:$0xA], $0x2000, $0x38;
	[tilespmem:$0x16400] =	vst v63  }
0x50: {  	s29 =	simm.s32 @p0 $0x180;
	s30 =	simm.s32 @p0 $0x300;
	_ =	swait.ge [sflag:s13], $0x2000  }
0x51: {  	s29 =	simm.s32 @!p0 $0x180;
	s1 =	sshll.u32 s9, $0x3;
	[sflag:s13] =	ssyncset.done $0x0  }
0x52: {  	s1 =	sadd.s32 s2, s1;
	s19 =	rddreg [dreg:$0x6];
	[sflag:s13] =	ssyncadd.s32 $0xFFFFE000  }
0x53: {  	[hbm4b:s1+s3] =	stream.linear.scatter [tilespmem:s19], [sflag:$0xB], $0x2000, $0x38;
	[tilespmem:$0x16400] =	vst v63  }
0x54: {  	s6 =	sadd.s32 s4, s29;
	s29 =	simm.s32 @p0 $0x200;
	_ =	swait.ge [sflag:s14], $0x2000  }
0x55: {  	s29 =	simm.s32 @!p0 $0x200;
	s1 =	sshll.u32 s6, $0x3;
	[sflag:s14] =	ssyncset.done $0x0  }
0x56: {  	s1 =	sadd.s32 s2, s1;
	s7 =	rddreg [dreg:$0x7];
	[sflag:s14] =	ssyncadd.s32 $0xFFFFE000  }
0x57: {  	[hbm4b:s1+s3] =	stream.linear.scatter [tilespmem:s7], [sflag:$0xC], $0x2000, $0x38;
	[tilespmem:$0x16400] =	vst v63  }
0x58: {  	s9 =	sadd.s32 s4, s29;
	s29 =	simm.s32 @p0 $0x280;
	_ =	swait.ge [sflag:s15], $0x2000  }
0x59: {  	s29 =	simm.s32 @!p0 $0x280;
	s1 =	sshll.u32 s9, $0x3;
	[sflag:s15] =	ssyncset.done $0x0  }
0x5a: {  	s1 =	sadd.s32 s2, s1;
	s19 =	rddreg [dreg:$0x8];
	[sflag:s15] =	ssyncadd.s32 $0xFFFFE000  }
0x5b: {  	[hbm4b:s1+s3] =	stream.linear.scatter [tilespmem:s19], [sflag:$0xD], $0x2000, $0x38;
	[tilespmem:$0x16400] =	vst v63  }
0x5c: {  	s0 =	sadd.s32 s4, s0;
	s7 =	sadd.s32 s4, s29;
	_ =	swait.ge [sflag:s16], $0x2000  }
0x5d: {  	s30 =	simm.s32 @!p0 $0x300;
	s1 =	sshll.u32 s7, $0x3;
	[sflag:s16] =	ssyncset.done $0x0  }
0x5e: {  	s1 =	sadd.s32 s2, s1;
	s9 =	rddreg [dreg:$0x9];
	[sflag:s16] =	ssyncadd.s32 $0xFFFFE000  }
0x5f: {  	[hbm4b:s1+s3] =	stream.linear.scatter [tilespmem:s9], [sflag:$0xE], $0x2000, $0x38;
	[tilespmem:$0x16400] =	vst v63  }
0x60: {  	s0 =	sshll.u32 s0, $0x3;
	s19 =	sadd.s32 s4, s30;
	_ =	swait.ge [sflag:s17], $0x2000  }
0x61: {  	p0 =	por $0x1, $0x1;
	s6 =	sshll.u32 s19, $0x3;
	[sflag:s17] =	ssyncset.done $0x0  }
0x62: {  	s6 =	sadd.s32 s2, s6;
	s30 =	rddreg [dreg:$0xa];
	[sflag:s17] =	ssyncadd.s32 $0xFFFFE000  }
0x63: {  	[hbm4b:s6+s3] =	stream.linear.scatter [tilespmem:s30], [sflag:$0xF], $0x2000, $0x38;
	[tilespmem:$0x16400] =	vst v63  }
0x64: {  	s29 =	simm.s32 $0x780;
	s1 =	simm.s32 $0xB80;
	_ =	swait.ge [sflag:s18], $0x2000  }
0x65: {  	s6 =	sadd.s32 s2, s0;
	s30 =	sadd.s32 $0x2000, s8;
	[sflag:s18] =	ssyncset.done $0x0  }
.LBB2_2:
0x66: {  	s7 =	simm.s32 @p0 $0x9;
	[sflag:s18] =	ssyncadd.s32 $0xFFFFE000  }
0x67: {  	[hbm4b:s6+s3] =	stream.linear.scatter [tilespmem:s10], [sflag:$0x10], $0x2000, $0x38;
	[tilespmem:$0x16400] =	vst v63  }
0x68: {  	_ =	swait.ge @p0 [sflag:s7], $0x2000  }
0x69: {  	s9 =	simm.s32 @p0 $0xA;
	[sflag:s7] =	ssyncset.done @p0 $0x0  }
0x6a: {  	s6 =	simm.s32 @p0 $0x80;
	[sflag:s7] =	ssyncadd.s32 @p0 $0xFFFFE000;
	s7 =	simm.s32 @p0 $0x6400  }
0x6b: {  	[tilespmem:s7], [sflag:$0x1] =	stream.indirect.gather @p0 [hbm4b:s5+s6], $0x40, s31, s6, $0xb8;
	[tilespmem:$0x16400] =	vst v63  }
0x6c: {  	_ =	swait.ge @p0 [sflag:s9], $0x2000  }
0x6d: {  	s19 =	simm.s32 @p0 $0x8400;
	[sflag:s9] =	ssyncset.done @p0 $0x0  }
0x6e: {  	s7 =	simm.s32 @p0 $0xB;
	[sflag:s9] =	ssyncadd.s32 @p0 $0xFFFFE000;
	s9 =	sadd.s32 @p0 $0x80, s31  }
0x6f: {  	[tilespmem:s19], [sflag:$0x2] =	stream.indirect.gather @p0 [hbm4b:s5+s6], $0x40, s9, s6, $0xb8;
	[tilespmem:$0x16400] =	vst v63  }
0x70: {  	_ =	swait.ge @p0 [sflag:s7], $0x2000  }
0x71: {  	s9 =	simm.s32 @p0 $0xC;
	[sflag:s7] =	ssyncset.done @p0 $0x0  }
0x72: {  	s19 =	simm.s32 @p0 $0xA400;
	[sflag:s7] =	ssyncadd.s32 @p0 $0xFFFFE000;
	s7 =	sadd.s32 @p0 $0x100, s31  }
0x73: {  	[tilespmem:s19], [sflag:$0x3] =	stream.indirect.gather @p0 [hbm4b:s5+s6], $0x40, s7, s6, $0xb8;
	[tilespmem:$0x16400] =	vst v63  }
0x74: {  	_ =	swait.ge @p0 [sflag:s9], $0x2000  }
0x75: {  	s7 =	simm.s32 @p0 $0xD;
	[sflag:s9] =	ssyncset.done @p0 $0x0  }
0x76: {  	s19 =	simm.s32 @p0 $0xC400;
	[sflag:s9] =	ssyncadd.s32 @p0 $0xFFFFE000;
	s9 =	sadd.s32 @p0 $0x180, s31  }
0x77: {  	[tilespmem:s19], [sflag:$0x4] =	stream.indirect.gather @p0 [hbm4b:s5+s6], $0x40, s9, s6, $0xb8;
	[tilespmem:$0x16400] =	vst v63  }
0x78: {  	_ =	swait.ge @p0 [sflag:s7], $0x2000  }
0x79: {  	s9 =	simm.s32 @p0 $0xE;
	[sflag:s7] =	ssyncset.done @p0 $0x0  }
0x7a: {  	s19 =	simm.s32 @p0 $0xE400;
	[sflag:s7] =	ssyncadd.s32 @p0 $0xFFFFE000;
	s7 =	sadd.s32 @p0 $0x200, s31  }
0x7b: {  	[tilespmem:s19], [sflag:$0x5] =	stream.indirect.gather @p0 [hbm4b:s5+s6], $0x40, s7, s6, $0xb8;
	[tilespmem:$0x16400] =	vst v63  }
0x7c: {  	_ =	swait.ge @p0 [sflag:s9], $0x2000  }
0x7d: {  	s7 =	simm.s32 @p0 $0xF;
	[sflag:s9] =	ssyncset.done @p0 $0x0  }
0x7e: {  	s19 =	simm.s32 @p0 $0x10400;
	[sflag:s9] =	ssyncadd.s32 @p0 $0xFFFFE000;
	s9 =	sadd.s32 @p0 $0x280, s31  }
0x7f: {  	[tilespmem:s19], [sflag:$0x6] =	stream.indirect.gather @p0 [hbm4b:s5+s6], $0x40, s9, s6, $0xb8;
	[tilespmem:$0x16400] =	vst v63  }
0x80: {  	_ =	swait.ge @p0 [sflag:s7], $0x2000  }
0x81: {  	s9 =	simm.s32 @p0 $0x10;
	[sflag:s7] =	ssyncset.done @p0 $0x0  }
0x82: {  	s19 =	simm.s32 @p0 $0x12400;
	[sflag:s7] =	ssyncadd.s32 @p0 $0xFFFFE000;
	s7 =	sadd.s32 @p0 $0x300, s31  }
0x83: {  	[tilespmem:s19], [sflag:$0x7] =	stream.indirect.gather @p0 [hbm4b:s5+s6], $0x40, s7, s6, $0xb8;
	[tilespmem:$0x16400] =	vst v63  }
0x84: {  	_ =	swait.ge @p0 [sflag:s9], $0x2000  }
0x85: {  	[sflag:s9] =	ssyncset.done @p0 $0x0  }
0x86: {  	s6 =	simm.s32 @!p0 $0x80;
	s7 =	simm.s32 @!p0 $0x6400;
	[sflag:s9] =	ssyncadd.s32 @p0 $0xFFFFE000  }
0x87: {  	[tilespmem:s7], [sflag:$0x1] =	stream.indirect.gather @!p0 [hbm4b:s5+s6], $0x40, s31, s6, $0xb8;
	[tilespmem:$0x16400] =	vst v63  }
0x88: {  	s7 =	simm.s32 @!p0 $0x8400  }
0x89: {  	[tilespmem:s7], [sflag:$0x2] =	stream.indirect.gather @!p0 [hbm4b:s5+s6], $0x40, s6, s6, $0xb8;
	[tilespmem:$0x16400] =	vst v63  }
0x8a: {  	s9 =	simm.s32 @!p0 $0xA400;
	s7 =	simm.s32 @!p0 $0x100  }
0x8b: {  	[tilespmem:s9], [sflag:$0x3] =	stream.indirect.gather @!p0 [hbm4b:s5+s6], $0x40, s7, s6, $0xb8;
	[tilespmem:$0x16400] =	vst v63  }
0x8c: {  	s7 =	simm.s32 @!p0 $0x180;
	s9 =	simm.s32 @!p0 $0xC400  }
0x8d: {  	[tilespmem:s9], [sflag:$0x4] =	stream.indirect.gather @!p0 [hbm4b:s5+s6], $0x40, s7, s6, $0xb8;
	[tilespmem:$0x16400] =	vst v63  }
0x8e: {  	s7 =	simm.s32 @!p0 $0x200;
	s9 =	simm.s32 @!p0 $0xE400  }
0x8f: {  	[tilespmem:s9], [sflag:$0x5] =	stream.indirect.gather @!p0 [hbm4b:s5+s6], $0x40, s7, s6, $0xb8;
	[tilespmem:$0x16400] =	vst v63  }
0x90: {  	s7 =	simm.s32 @!p0 $0x280;
	s9 =	simm.s32 @!p0 $0x10400  }
0x91: {  	[tilespmem:s9], [sflag:$0x6] =	stream.indirect.gather @!p0 [hbm4b:s5+s6], $0x40, s7, s6, $0xb8;
	[tilespmem:$0x16400] =	vst v63  }
0x92: {  	s7 =	simm.s32 @!p0 $0x300;
	s9 =	simm.s32 @!p0 $0x12400  }
0x93: {  	[tilespmem:s9], [sflag:$0x7] =	stream.indirect.gather @!p0 [hbm4b:s5+s6], $0x40, s7, s6, $0xb8;
	[tilespmem:$0x16400] =	vst v63  }
0x94: {  	s6 =	smov.u32 s29  }
0x95: {  	s19 =	rddreg [dreg:$0x3];
	s6 =	simm.s32 @!p0 $0x380  }
0x96: {  	[tilespmem:s10], [sflag:$0x8] =	stream.indirect.gather [hbm4b:s5+s19], $0x40, s6, s19, $0xb8;
	[tilespmem:$0x16400] =	vst v63  }
0x97: {  	s0 =	smov.u32 s1;
	_ =	swait.ge [sflag:s11], $0x2000  }
0x98: {  	s1 =	sadd.s32 $0x400, s1;
	s9 =	sadd.s32 @p0 $0xFFFFFD00, s29;
	[sflag:s11] =	ssyncset.done $0x0  }
0x99: {  	s9 =	simm.s32 @!p0 $0x80;
	s19 =	rddreg [dreg:$0x4];
	[sflag:s11] =	ssyncadd.s32 $0xFFFFE000  }
0x9a: {  	[hbm4b:s30+s3] =	stream.linear.scatter [tilespmem:s19], [sflag:$0x9], $0x2000, $0x38;
	[tilespmem:$0x16400] =	vst v63  }
0x9b: {  	p1 =	sne.s32 s1, $0x6780;
	s6 =	sadd.s32 s4, s6;
	s19 =	sadd.s32 s4, s9  }
0x9c: {  	_ =	swait.ge [sflag:s12], $0x2000;
	s7 =	sshll.u32 s19, $0x3;
	s19 =	sadd.s32 @p0 $0xFFFFFD80, s29  }
0x9d: {  	s9 =	rddreg [dreg:$0x5];
	[sflag:s12] =	ssyncset.done $0x0;
	s19 =	simm.s32 @!p0 $0x100  }
0x9e: {  	s7 =	sadd.s32 s2, s7;
	[sflag:s12] =	ssyncadd.s32 $0xFFFFE000;
	s19 =	sadd.s32 s4, s19  }
0x9f: {  	[hbm4b:s7+s3] =	stream.linear.scatter [tilespmem:s9], [sflag:$0xA], $0x2000, $0x38;
	[tilespmem:$0x16400] =	vst v63  }
0xa0: {  	s7 =	sshll.u32 s19, $0x3;
	s19 =	sadd.s32 @p0 $0xFFFFFE00, s29;
	_ =	swait.ge [sflag:s13], $0x2000  }
0xa1: {  	s7 =	sadd.s32 s2, s7;
	s19 =	simm.s32 @!p0 $0x180;
	[sflag:s13] =	ssyncset.done $0x0  }
0xa2: {  	s9 =	rddreg [dreg:$0x6];
	s19 =	sadd.s32 s4, s19;
	[sflag:s13] =	ssyncadd.s32 $0xFFFFE000  }
0xa3: {  	[hbm4b:s7+s3] =	stream.linear.scatter [tilespmem:s9], [sflag:$0xB], $0x2000, $0x38;
	[tilespmem:$0x16400] =	vst v63  }
0xa4: {  	s7 =	sshll.u32 s19, $0x3;
	s19 =	sadd.s32 @p0 $0xFFFFFE80, s29;
	_ =	swait.ge [sflag:s14], $0x2000  }
0xa5: {  	s7 =	sadd.s32 s2, s7;
	s19 =	simm.s32 @!p0 $0x200;
	[sflag:s14] =	ssyncset.done $0x0  }
0xa6: {  	s9 =	rddreg [dreg:$0x7];
	s19 =	sadd.s32 s4, s19;
	[sflag:s14] =	ssyncadd.s32 $0xFFFFE000  }
0xa7: {  	[hbm4b:s7+s3] =	stream.linear.scatter [tilespmem:s9], [sflag:$0xC], $0x2000, $0x38;
	[tilespmem:$0x16400] =	vst v63  }
0xa8: {  	s7 =	sshll.u32 s19, $0x3;
	s19 =	sadd.s32 @p0 $0xFFFFFF00, s29;
	_ =	swait.ge [sflag:s15], $0x2000  }
0xa9: {  	s7 =	sadd.s32 s2, s7;
	s19 =	simm.s32 @!p0 $0x280;
	[sflag:s15] =	ssyncset.done $0x0  }
0xaa: {  	s9 =	rddreg [dreg:$0x8];
	s19 =	sadd.s32 s4, s19;
	[sflag:s15] =	ssyncadd.s32 $0xFFFFE000  }
0xab: {  	[hbm4b:s7+s3] =	stream.linear.scatter [tilespmem:s9], [sflag:$0xD], $0x2000, $0x38;
	[tilespmem:$0x16400] =	vst v63  }
0xac: {  	s6 =	sshll.u32 s6, $0x3;
	s7 =	sshll.u32 s19, $0x3;
	_ =	swait.ge [sflag:s16], $0x2000  }
0xad: {  	s19 =	sadd.s32 @p0 $0xFFFFFF80, s29;
	s7 =	sadd.s32 s2, s7;
	[sflag:s16] =	ssyncset.done $0x0  }
0xae: {  	s19 =	simm.s32 @!p0 $0x300;
	s9 =	rddreg [dreg:$0x9];
	[sflag:s16] =	ssyncadd.s32 $0xFFFFE000  }
0xaf: {  	[hbm4b:s7+s3] =	stream.linear.scatter [tilespmem:s9], [sflag:$0xE], $0x2000, $0x38;
	[tilespmem:$0x16400] =	vst v63  }
0xb0: {  	s29 =	smov.u32 s0;
	s9 =	sadd.s32 s4, s19;
	_ =	swait.ge [sflag:s17], $0x2000  }
.Ltmp0:
0xb1: {  	s0 =	sshll.u32 s9, $0x3;
	[sflag:s17] =	ssyncset.done $0x0;
	(pc) =	sbr.rel @p1 .LBB2_2-.Ltmp0, $4  }
0xb2: {  	s19 =	rddreg [dreg:$0xa];
	s0 =	sadd.s32 s2, s0;
	[sflag:s17] =	ssyncadd.s32 $0xFFFFE000  }
0xb3: {  	[hbm4b:s0+s3] =	stream.linear.scatter [tilespmem:s19], [sflag:$0xF], $0x2000, $0x38;
	[tilespmem:$0x16400] =	vst v63  }
0xb4: {  	s31 =	sadd.s32 $0x400, s31;
	s6 =	sadd.s32 s2, s6;
	_ =	swait.ge [sflag:s18], $0x2000  }
0xb5: {  	s30 =	sadd.s32 $0x2000, s30;
	p0 =	sne.s32 s29, $0x380;
	[sflag:s18] =	ssyncset.done $0x0  }
0xb6: {  	s0 =	simm.s32 @p0 $0x9;
	[sflag:s18] =	ssyncadd.s32 $0xFFFFE000  }
0xb7: {  	[hbm4b:s6+s3] =	stream.linear.scatter [tilespmem:s10], [sflag:$0x10], $0x2000, $0x38;
	[tilespmem:$0x16400] =	vst v63  }
0xb8: {  	_ =	swait.ge @p0 [sflag:s0], $0x2000  }
0xb9: {  	s1 =	simm.s32 @p0 $0xA;
	[sflag:s0] =	ssyncset.done @p0 $0x0  }
0xba: {  	s6 =	simm.s32 @p0 $0x6400;
	[sflag:s0] =	ssyncadd.s32 @p0 $0xFFFFE000;
	s0 =	simm.s32 @p0 $0x80  }
0xbb: {  	[tilespmem:s6], [sflag:$0x1] =	stream.indirect.gather @p0 [hbm4b:s5+s0], $0x40, s31, s0, $0xb8;
	[tilespmem:$0x16400] =	vst v63  }
0xbc: {  	_ =	swait.ge @p0 [sflag:s1], $0x2000  }
0xbd: {  	[sflag:s1] =	ssyncset.done @p0 $0x0  }
0xbe: {  	s6 =	simm.s32 @p0 $0x8400;
	[sflag:s1] =	ssyncadd.s32 @p0 $0xFFFFE000;
	s1 =	sadd.s32 @p0 $0x80, s31  }
0xbf: {  	[tilespmem:s6], [sflag:$0x2] =	stream.indirect.gather @p0 [hbm4b:s5+s0], $0x40, s1, s0, $0xb8;
	[tilespmem:$0x16400] =	vst v63  }
0xc0: {  	s1 =	simm.s32 @p0 $0xB  }
0xc1: {  	_ =	swait.ge @p0 [sflag:s1], $0x2000  }
0xc2: {  	[sflag:s1] =	ssyncset.done @p0 $0x0  }
0xc3: {  	s6 =	simm.s32 @p0 $0xA400;
	[sflag:s1] =	ssyncadd.s32 @p0 $0xFFFFE000;
	s1 =	sadd.s32 @p0 $0x100, s31  }
0xc4: {  	[tilespmem:s6], [sflag:$0x3] =	stream.indirect.gather @p0 [hbm4b:s5+s0], $0x40, s1, s0, $0xb8;
	[tilespmem:$0x16400] =	vst v63  }
0xc5: {  	s1 =	simm.s32 @p0 $0xC  }
0xc6: {  	_ =	swait.ge @p0 [sflag:s1], $0x2000  }
0xc7: {  	[sflag:s1] =	ssyncset.done @p0 $0x0  }
0xc8: {  	s6 =	simm.s32 @p0 $0xC400;
	[sflag:s1] =	ssyncadd.s32 @p0 $0xFFFFE000;
	s1 =	sadd.s32 @p0 $0x180, s31  }
0xc9: {  	[tilespmem:s6], [sflag:$0x4] =	stream.indirect.gather @p0 [hbm4b:s5+s0], $0x40, s1, s0, $0xb8;
	[tilespmem:$0x16400] =	vst v63  }
0xca: {  	s1 =	simm.s32 @p0 $0xD  }
0xcb: {  	_ =	swait.ge @p0 [sflag:s1], $0x2000  }
0xcc: {  	[sflag:s1] =	ssyncset.done @p0 $0x0  }
0xcd: {  	s6 =	simm.s32 @p0 $0xE400;
	[sflag:s1] =	ssyncadd.s32 @p0 $0xFFFFE000;
	s1 =	sadd.s32 @p0 $0x200, s31  }
0xce: {  	[tilespmem:s6], [sflag:$0x5] =	stream.indirect.gather @p0 [hbm4b:s5+s0], $0x40, s1, s0, $0xb8;
	[tilespmem:$0x16400] =	vst v63  }
0xcf: {  	s1 =	simm.s32 @p0 $0xE  }
0xd0: {  	_ =	swait.ge @p0 [sflag:s1], $0x2000  }
0xd1: {  	[sflag:s1] =	ssyncset.done @p0 $0x0  }
0xd2: {  	s6 =	simm.s32 @p0 $0x10400;
	[sflag:s1] =	ssyncadd.s32 @p0 $0xFFFFE000;
	s1 =	sadd.s32 @p0 $0x280, s31  }
0xd3: {  	[tilespmem:s6], [sflag:$0x6] =	stream.indirect.gather @p0 [hbm4b:s5+s0], $0x40, s1, s0, $0xb8;
	[tilespmem:$0x16400] =	vst v63  }
0xd4: {  	s1 =	simm.s32 @p0 $0xF  }
0xd5: {  	_ =	swait.ge @p0 [sflag:s1], $0x2000  }
0xd6: {  	[sflag:s1] =	ssyncset.done @p0 $0x0  }
0xd7: {  	s6 =	simm.s32 @p0 $0x12400;
	[sflag:s1] =	ssyncadd.s32 @p0 $0xFFFFE000;
	s1 =	sadd.s32 @p0 $0x300, s31  }
0xd8: {  	[tilespmem:s6], [sflag:$0x7] =	stream.indirect.gather @p0 [hbm4b:s5+s0], $0x40, s1, s0, $0xb8;
	[tilespmem:$0x16400] =	vst v63  }
0xd9: {  	s0 =	simm.s32 @p0 $0x10  }
0xda: {  	_ =	swait.ge @p0 [sflag:s0], $0x2000  }
0xdb: {  	[sflag:s0] =	ssyncset.done @p0 $0x0  }
0xdc: {  	s1 =	simm.s32 @!p0 $0x6400;
	[sflag:s0] =	ssyncadd.s32 @p0 $0xFFFFE000;
	s0 =	simm.s32 @!p0 $0x80  }
0xdd: {  	[tilespmem:s1], [sflag:$0x1] =	stream.indirect.gather @!p0 [hbm4b:s5+s0], $0x40, s31, s0, $0xb8;
	[tilespmem:$0x16400] =	vst v63  }
0xde: {  	s1 =	simm.s32 @!p0 $0x8400  }
0xdf: {  	[tilespmem:s1], [sflag:$0x2] =	stream.indirect.gather @!p0 [hbm4b:s5+s0], $0x40, s0, s0, $0xb8;
	[tilespmem:$0x16400] =	vst v63  }
0xe0: {  	s6 =	simm.s32 @!p0 $0xA400;
	s1 =	simm.s32 @!p0 $0x100  }
0xe1: {  	[tilespmem:s6], [sflag:$0x3] =	stream.indirect.gather @!p0 [hbm4b:s5+s0], $0x40, s1, s0, $0xb8;
	[tilespmem:$0x16400] =	vst v63  }
0xe2: {  	s1 =	simm.s32 @!p0 $0x180;
	s6 =	simm.s32 @!p0 $0xC400  }
0xe3: {  	[tilespmem:s6], [sflag:$0x4] =	stream.indirect.gather @!p0 [hbm4b:s5+s0], $0x40, s1, s0, $0xb8;
	[tilespmem:$0x16400] =	vst v63  }
0xe4: {  	s1 =	simm.s32 @!p0 $0x200;
	s6 =	simm.s32 @!p0 $0xE400  }
0xe5: {  	[tilespmem:s6], [sflag:$0x5] =	stream.indirect.gather @!p0 [hbm4b:s5+s0], $0x40, s1, s0, $0xb8;
	[tilespmem:$0x16400] =	vst v63  }
0xe6: {  	s1 =	simm.s32 @!p0 $0x280;
	s6 =	simm.s32 @!p0 $0x10400  }
0xe7: {  	[tilespmem:s6], [sflag:$0x6] =	stream.indirect.gather @!p0 [hbm4b:s5+s0], $0x40, s1, s0, $0xb8;
	[tilespmem:$0x16400] =	vst v63  }
0xe8: {  	s1 =	simm.s32 @!p0 $0x300;
	s6 =	simm.s32 @!p0 $0x12400  }
0xe9: {  	[tilespmem:s6], [sflag:$0x7] =	stream.indirect.gather @!p0 [hbm4b:s5+s0], $0x40, s1, s0, $0xb8;
	[tilespmem:$0x16400] =	vst v63  }
0xea: {  	s0 =	smov.u32 s29  }
0xeb: {  	s7 =	rddreg [dreg:$0x3];
	s0 =	simm.s32 @!p0 $0x380  }
0xec: {  	[tilespmem:s10], [sflag:$0x8] =	stream.indirect.gather [hbm4b:s5+s7], $0x40, s0, s7, $0xb8;
	[tilespmem:$0x16400] =	vst v63  }
0xed: {  	_ =	swait.ge [sflag:s11], $0x2000  }
0xee: {  	s1 =	sadd.s32 @p0 $0xFFFFFD00, s29;
	[sflag:s11] =	ssyncset.done $0x0  }
0xef: {  	s1 =	simm.s32 @!p0 $0x80;
	s19 =	rddreg [dreg:$0x4];
	[sflag:s11] =	ssyncadd.s32 $0xFFFFE000  }
0xf0: {  	[hbm4b:s30+s3] =	stream.linear.scatter [tilespmem:s19], [sflag:$0x9], $0x2000, $0x38;
	[tilespmem:$0x16400] =	vst v63  }
0xf1: {  	s1 =	sadd.s32 s4, s1;
	_ =	swait.ge [sflag:s12], $0x2000  }
0xf2: {  	s1 =	sshll.u32 s1, $0x3;
	[sflag:s12] =	ssyncset.done $0x0  }
0xf3: {  	s1 =	sadd.s32 s2, s1;
	s30 =	rddreg [dreg:$0x5];
	[sflag:s12] =	ssyncadd.s32 $0xFFFFE000  }
0xf4: {  	[hbm4b:s1+s3] =	stream.linear.scatter [tilespmem:s30], [sflag:$0xA], $0x2000, $0x38;
	[tilespmem:$0x16400] =	vst v63  }
0xf5: {  	s1 =	sadd.s32 @p0 $0xFFFFFD80, s29  }
0xf6: {  	s1 =	simm.s32 @!p0 $0x100  }
0xf7: {  	_ =	swait.ge [sflag:s13], $0x2000;
	s1 =	sadd.s32 s4, s1  }
0xf8: {  	[sflag:s13] =	ssyncset.done $0x0;
	s1 =	sshll.u32 s1, $0x3  }
0xf9: {  	s31 =	rddreg [dreg:$0x6];
	[sflag:s13] =	ssyncadd.s32 $0xFFFFE000;
	s1 =	sadd.s32 s2, s1  }
0xfa: {  	[hbm4b:s1+s3] =	stream.linear.scatter [tilespmem:s31], [sflag:$0xB], $0x2000, $0x38;
	[tilespmem:$0x16400] =	vst v63  }
0xfb: {  	s1 =	sadd.s32 @p0 $0xFFFFFE00, s29  }
0xfc: {  	s1 =	simm.s32 @!p0 $0x180  }
0xfd: {  	_ =	swait.ge [sflag:s14], $0x2000;
	s1 =	sadd.s32 s4, s1  }
0xfe: {  	[sflag:s14] =	ssyncset.done $0x0;
	s1 =	sshll.u32 s1, $0x3  }
0xff: {  	s7 =	rddreg [dreg:$0x7];
	[sflag:s14] =	ssyncadd.s32 $0xFFFFE000;
	s1 =	sadd.s32 s2, s1  }
0x100: {  	[hbm4b:s1+s3] =	stream.linear.scatter [tilespmem:s7], [sflag:$0xC], $0x2000, $0x38;
	[tilespmem:$0x16400] =	vst v63  }
0x101: {  	s1 =	sadd.s32 @p0 $0xFFFFFE80, s29  }
0x102: {  	s1 =	simm.s32 @!p0 $0x200  }
0x103: {  	_ =	swait.ge [sflag:s15], $0x2000;
	s1 =	sadd.s32 s4, s1  }
0x104: {  	[sflag:s15] =	ssyncset.done $0x0;
	s1 =	sshll.u32 s1, $0x3  }
0x105: {  	s9 =	rddreg [dreg:$0x8];
	[sflag:s15] =	ssyncadd.s32 $0xFFFFE000;
	s1 =	sadd.s32 s2, s1  }
0x106: {  	[hbm4b:s1+s3] =	stream.linear.scatter [tilespmem:s9], [sflag:$0xD], $0x2000, $0x38;
	[tilespmem:$0x16400] =	vst v63  }
0x107: {  	s1 =	sadd.s32 @p0 $0xFFFFFF00, s29  }
0x108: {  	s1 =	simm.s32 @!p0 $0x280  }
0x109: {  	_ =	swait.ge [sflag:s16], $0x2000;
	s1 =	sadd.s32 s4, s1  }
0x10a: {  	[sflag:s16] =	ssyncset.done $0x0;
	s1 =	sshll.u32 s1, $0x3  }
0x10b: {  	s19 =	rddreg [dreg:$0x9];
	[sflag:s16] =	ssyncadd.s32 $0xFFFFE000;
	s1 =	sadd.s32 s2, s1  }
0x10c: {  	[hbm4b:s1+s3] =	stream.linear.scatter [tilespmem:s19], [sflag:$0xE], $0x2000, $0x38;
	[tilespmem:$0x16400] =	vst v63  }
0x10d: {  	s1 =	sadd.s32 @p0 $0xFFFFFF80, s29  }
0x10e: {  	s1 =	simm.s32 @!p0 $0x300  }
0x10f: {  	_ =	swait.ge [sflag:s17], $0x2000;
	s1 =	sadd.s32 s4, s1  }
0x110: {  	[sflag:s17] =	ssyncset.done $0x0;
	s1 =	sshll.u32 s1, $0x3  }
0x111: {  	s29 =	rddreg [dreg:$0xa];
	[sflag:s17] =	ssyncadd.s32 $0xFFFFE000;
	s1 =	sadd.s32 s2, s1  }
0x112: {  	[hbm4b:s1+s3] =	stream.linear.scatter [tilespmem:s29], [sflag:$0xF], $0x2000, $0x38;
	[tilespmem:$0x16400] =	vst v63  }
0x113: {  	s0 =	sadd.s32 s4, s0;
	_ =	swait.ge [sflag:s18], $0x2000  }
0x114: {  	s0 =	sshll.u32 s0, $0x3;
	[sflag:s18] =	ssyncset.done $0x0  }
0x115: {  	s0 =	sadd.s32 s2, s0;
	s30 =	simm.s32 $0x9;
	[sflag:s18] =	ssyncadd.s32 $0xFFFFE000  }
0x116: {  	[hbm4b:s0+s3] =	stream.linear.scatter [tilespmem:s10], [sflag:$0x10], $0x2000, $0x38;
	[tilespmem:$0x16400] =	vst v63  }
0x117: {  	_ =	swait.ge [sflag:s30], $0x2000  }
0x118: {  	[sflag:s30] =	ssyncset.done $0x0  }
0x119: {  	[sflag:s30] =	ssyncadd.s32 $0xFFFFE000  }
0x11a: {  	_ =	swait.ge [sflag:s20], $0x2000  }
0x11b: {  	[sflag:s20] =	ssyncset.done $0x0  }
0x11c: {  	[sflag:s20] =	ssyncadd.s32 $0xFFFFE000  }
0x11d: {  	_ =	swait.ge [sflag:s21], $0x2000  }
0x11e: {  	[sflag:s21] =	ssyncset.done $0x0  }
0x11f: {  	[sflag:s21] =	ssyncadd.s32 $0xFFFFE000  }
0x120: {  	_ =	swait.ge [sflag:s22], $0x2000  }
0x121: {  	[sflag:s22] =	ssyncset.done $0x0  }
0x122: {  	[sflag:s22] =	ssyncadd.s32 $0xFFFFE000  }
0x123: {  	_ =	swait.ge [sflag:s23], $0x2000  }
0x124: {  	[sflag:s23] =	ssyncset.done $0x0  }
0x125: {  	[sflag:s23] =	ssyncadd.s32 $0xFFFFE000  }
0x126: {  	_ =	swait.ge [sflag:s24], $0x2000  }
0x127: {  	[sflag:s24] =	ssyncset.done $0x0  }
0x128: {  	[sflag:s24] =	ssyncadd.s32 $0xFFFFE000  }
0x129: {  	_ =	swait.ge [sflag:s25], $0x2000  }
0x12a: {  	[sflag:s25] =	ssyncset.done $0x0  }
0x12b: {  	[sflag:s25] =	ssyncadd.s32 $0xFFFFE000  }
0x12c: {  	_ =	swait.ge [sflag:s26], $0x2000  }
0x12d: {  	s28 =	sadd.s32 $0x1, s28;
	s31 =	rddreg [dreg:$0xc]  }
0x12e: {  	p0 =	sne.s32 s28, s31  }
.Ltmp1:
0x12f: {  	_ = 	snop;
	(pc) =	sbr.rel @p0 .LBB2_1-.Ltmp1, $3  }
0x130: {  	_ =	sdelay $0x1  }
0x131: {  	[sflag:s26] =	ssyncset.done $0x0  }
0x132: {  	[sflag:s26] =	ssyncadd.s32 $0xFFFFE000  }
0x133: {  	_ =	sfence.sel $0x180000  }
0x134: {  	[bflag:$0x0] =	sbarrier.arrive $0xFFFF  }
0x135: {  	_ =	strace $0x90000047  }
0x136: {  	s0 =	stileid.u32;
	[bflag:$0x2] =	sbarrier.arrive $0xFFFF  }
0x137: {  	p0 =	sne.s32 s0, $0x0;
	s0 =	rddreg [dreg:$0x2]  }
0x138: {  	s0 =	sadd.s32 @!p0 $0x100000, s0  }
0x139: {  	[sflag:s0] =	ssyncadd.tile.s32 @!p0 $0x1;
	_ =	shalt  }
.Lfunc_end2:
_tile_overlayer_lowered:
.L_overlay_start_2:
0x13a: {  	(tag) =	ssettag $0x2  }
0x13b: {  	s0 =	rddreg [dreg:$0x0];
	s2 =	stileid.u32  }
0x13c: {  	s1 =	rddreg [dreg:$0x1];
	p0 =	sne.s32 s2, $0x0  }
0x13d: {  	s3 =	rddreg [dreg:$0x2];
	[bflag:$0x3] =	sbarrier.arrive $0xFFFF;
	s2 =	simm.s32 @!p0 $0x1C11  }
0x13e: {  	[timem:s3], [sflag:s2] =	dma.local @!p0 [hbm:s0], s1  }
0x13f: {  	s0 =	simm.s32 @!p0 $0x11  }
0x140: {  	_ =	swait.ge @!p0 [sflag:s0], s1  }
0x141: {  	s1 =	ssub.s32 @!p0 $0x0, s1;
	[sflag:s0] =	ssyncset.done @!p0 $0x0  }
0x142: {  	[sflag:s0] =	ssyncadd.s32 @!p0 s1  }
0x143: {  	[bflag:$0x3] =	sbarrier.arrive $0xFFFF  }
0x144: {  	_ =	shalt  }

// kernel: sparse-core-data-format-call.cloned.1.call-start
scs
called_computation_lowered:
.L_overlay_start_0:
0x0: {  	s2 =	sld [smem:$0x3FD9]  }
0x1: {  	s3 =	sld [smem:$0x3FFE];
	_ =	sdelay $0x1  }
0x2: {  	s1 =	srdreg.scid  }
0x3: {  	s0 =	sand.u32 $0x1, s1  }
0x4: {  	s18 =	sshll.u32 s0, $0xA;
	s2 =	sadd.s32 s3, s2  }
0x5: {  	s2 =	sadd.s32 s2, s18  }
0x6: {  	[smem:$0x3FC6] =	sst s2  }
0x7: {  	_ = 	snop  }
0x8: {  	s2 =	sld [smem:$0x3FD0];
	(tm) =	ssettm $0x1  }
0x9: {  	s19 =	sld [smem:$0x3FFB];
	_ =	sdelay $0x3  }
0xa: {  	_ =	strace s19  }
0xb: {  	s3 =	sld [smem:$0x3FFC];
	_ =	sdelay $0x3  }
0xc: {  	_ =	strace s3  }
0xd: {  	s3 =	sld [smem:$0x3FFD];
	_ =	sdelay $0x3  }
0xe: {  	_ =	strace s3  }
0xf: {  	_ =	strace $0x8FFFFFFF  }
0x10: {  	s20 =	sld [smem:$0x3FDB];
	_ =	sdelay $0x1  }
0x11: {  	s4 =	simm.s32 $_scs_section_size  }
0x12: {  	s5 =	simm.s32 $_size__tile_overlayer_lowered;
	s6 =	simm.s32 $_tile_overlayer_lowered  }
0x13: {  	s23 =	simm.s32 $0x1BFF;
	s22 =	sshll.u32 s6, $0x1;
	s3 =	sadd.s32 s4, s20  }
0x14: {  	s7 =	simm.s32 $0x0;
	s21 =	sshll.u32 s5, $0x1;
	s5 =	sadd.s32 s22, s3  }
0x15: {  	[timem:s7], [sflag:s23] =	dma.local [hbm:s5], s21  }
0x16: {  	_ =	swait.ge [sflag:s23], s21  }
0x17: {  	s4 =	ssub.s32 $0x0, s21;
	[sflag:s23] =	ssyncset.done $0x0  }
0x18: {  	[sflag:s23] =	ssyncadd.s32 s4;
	_ =	sdelay $0x1  }
0x19: {  	s24 =	simm.s32 $0x1B8B  }
0x1a: {  	_ =	swait.ge [sflag:s24], $0x1  }
0x1b: {  	[sflag:s24] =	ssyncset.done $0x0  }
0x1c: {  	s26 =	simm.s32 $0x1B8E;
	s25 =	sld [smem:$0x3FFE];
	[sflag:s24] =	ssyncadd.s32 $0xFFFFFFFF  }
0x1d: {  	s27 =	simm.s32 $execute0_lowered;
	[smem:$0x3FD2] =	sst s26  }
0x1e: {  	s5 =	sshll.u32 s27, $0x1;
	_ =	strace $0x80000049;
	[dreg:$0x1] =	wrdreg $0xFFFFFFFF  }
0x1f: {  	s28 =	simm.s32 $_size_execute0_lowered;
	s3 =	sadd.s32 s3, s5;
	[dreg:$0x0] =	wrdreg $0x0  }
0x20: {  	s5 =	sshll.u32 s28, $0x1;
	[dreg:$0x2] =	wrdreg s3  }
0x21: {  	[dreg:$0x3] =	wrdreg s5  }
0x22: {  	[dreg:$0x4] =	wrdreg $0xC0  }
0x23: {  	_ =	task [dreg:s7], $0x5FFFF  }
0x24: {  	[dreg:$0x1] =	wrdreg $0xFFFFFFFF  }
0x25: {  	[dreg:$0x0] =	wrdreg $0x60  }
0x26: {  	[dreg:$0x2] =	wrdreg s25  }
0x27: {  	[dreg:$0x3] =	wrdreg s2  }
0x28: {  	[dreg:$0x4] =	wrdreg $0x9  }
0x29: {  	_ =	task.clear_ibuf [dreg:s7], $0x5FFFF;
	_ =	strace $0x90000049  }
0x2a: {  	s29 =	simm.s32 $0x9;
	_ =	strace $0x8000004B  }
0x2b: {  	_ =	swait.ge [sflag:s29], $0x1  }
0x2c: {  	[sflag:s29] =	ssyncadd.s32 $0xFFFFFFFF  }
0x2d: {  	_ =	strace $0x9000004B  }
0x2e: {  	_ =	sfence  }
0x2f: {  	s30 =	sld [smem:$0x0];
	_ =	sdelay $0x2  }
0x30: {  	s31 =	sshll.u32 s1, $0xD;
	s1 =	sshrl.u32 s1, $0x2  }
0x31: {  	s3 =	sand.u32 $0x4000, s31;
	s1 =	sadd.s32 s1, s30  }
0x32: {  	s0 =	sor.u32 s3, s0;
	s1 =	sshll.u32 s1, $0x11  }
0x33: {  	s0 =	sor.u32 s1, s0  }
0x34: {  	s0 =	sadd.s32 $0x8F2B, s0  }
0x35: {  	[sflag:s0] =	ssyncadd.remote.s32 $0x1  }
0x36: {  	_ =	sfence.sel $0xFFFF  }
0x37: {  	[dreg:$0x0] =	wrdreg $0xFFFFFFFF;
	(pc) =	sbr.abs _section_cstart, $3  }
0x38: {  	[dreg:$0x1] =	wrdreg $0xFFFFFFFF  }
0x39: {  	_ =	task.clear_ibuf [dreg:s7], $0x2FFFF;
	_ =	strace $0x9FFFFFFF  }
0x3a: {  	(tm) =	ssettm $0x7FFFFFFF  }
0x3b: {  	_ =	shalt  }
tec
execute0_lowered:
.L_overlay_start_1:
0x0: {  	(tag) =	ssettag $0x1  }
0x1: {  	s0 =	srdreg.scid  }
0x2: {  	s1 =	sshll.u32 s0, $0x4  }
0x3: {  	s5 =	rddreg [dreg:$0x0];
	s0 =	stileid.u32;
	s1 =	sand.u32 $0x10, s1  }
0x4: {  	s3 =	rddreg [dreg:$0x1];
	s31 =	simm.s32 $0x2;
	s4 =	sor.u32 s0, s1  }
0x5: {  	s13 =	simm.s32 $0x0;
	s9 =	simm.s32 $0x400;
	s2 =	sshll.u32 s4, $0x7  }
0x6: {  	s10 =	simm.s32 $0x8000;
	s14 =	simm.s32 $0x0;
	s6 =	ssub.s32 $0x1000, s2  }
0x7: {  	s1 =	rddreg [dreg:$0x2];
	_ =	strace $0x8000004A;
	s7 =	sand.u32 $0xF80, s6  }
0x8: {  	s4 =	sshll.u32 s4, $0xB;
	p0 =	sne.s32 s7, $0x0;
	s7 =	simm.s32 $0x1  }
.Ltmp0:
0x9: {  	s6 =	sshrl.u32 s6, $0xC;
	s7 =	simm.s32 @!p0 $0x0;
	(pc) =	sbr.rel .LBB1_1-.Ltmp0, $4  }
0xa: {  	s8 =	sadd.s32 s4, s5;
	s4 =	simm.s32 $0x1;
	s30 =	sadd.s32 s7, s6  }
0xb: {  	s11 =	simm.s32 $0x0;
	[sflag:s4] =	ssyncpa.u1 $0x0;
	s5 =	smul.u32 $0x64, s30  }
0xc: {  	s12 =	simm.s32 $0x0;
	[sflag:s31] =	ssyncpa.u1 $0x0;
	p0 =	por $0x0, $0x0  }
0xd: {  	s6 =	sadd.s32 $0xA00, s8;
	s7 =	sadd.s32 $0x10A00, s8;
	s8 =	sor.u32 $0x1, s5  }
.LBB1_7:
0xe: {  	s15 =	sadd.s32 $0x2, s11  }
0xf: {  	p2 =	sgt.s32 s15, $0xC7  }
0x10: {  	s15 =	simm.s32 @p2 $0x0;
	p2 =	sne.s32 s12, s8  }
.Ltmp1:
0x11: {  	p1 =	slt.u32 s12, $0x2;
	(pc) =	sbr.rel @!p2 .LBB1_8-.Ltmp1, $4  }
0x12: {  	s13 =	simm.s32 @!p1 $0x2  }
0x13: {  	s16 =	sadd.s32 $0x1, s12;
	s14 =	smov.u32 s11;
	_ =	swait.ge @!p1 [sflag:s13], $0x4000  }
0x14: {  	p0 =	por !p0, !p0;
	s12 =	smov.u32 s16;
	[sflag:s13] =	ssyncset.done @!p1 $0x0  }
0x15: {  	s11 =	smov.u32 s15;
	[sflag:s13] =	ssyncadd.s32 @!p1 $0xFFFFC000;
	s13 =	smov.u32 s2  }
.LBB1_1:
0x16: {  	p1 =	sge.u32 s12, s5  }
0x17: {  	s15 =	sxor.u32 @!p1 $0xFFFFFFFF, s12  }
0x18: {  	s16 =	sshll.u32 @!p1 s11, $0x10;
	s18 =	simm.s32 @!p1 $0x40;
	s15 =	sshll.u32 @!p1 s15, $0xE  }
0x19: {  	s19 =	simm.s32 @!p1 $0x80;
	s17 =	sadd.s32 @!p1 s16, s6;
	s15 =	sand.u32 @!p1 $0x4000, s15  }
0x1a: {  	[tilespmem:s15], [sflag:$0x1] =	stream.strided.gather @!p1 [hbm4b:s17+s18], $0x2000, s19, s18, $0x38;
	[tilespmem:$0x10100] =	vst v63  }
0x1b: {  	s31 =	sadd.s32 $0xFFFFFFFF, s12;
	s16 =	sadd.s32 @!p1 s16, s7;
	s15 =	sor.u32 @!p1 $0x2000, s15  }
0x1c: {  	[tilespmem:s15], [sflag:$0x1] =	stream.strided.gather @!p1 [hbm4b:s16+s18], $0x2000, s19, s18, $0x38;
	[tilespmem:$0x10100] =	vst v63  }
0x1d: {  	p1 =	sge.u32 s31, s5  }
.Ltmp2:
0x1e: {  	_ = 	snop;
	(pc) =	sbr.rel @p1 .LBB1_7-.Ltmp2, $1  }
0x1f: {  	_ =	sdelay $0x3  }
0x20: {  	s15 =	simm.s32 $0x1;
	s17 =	sand.u32 $0x1, s12  }
0x21: {  	_ =	swait.ge [sflag:s4], $0x4000;
	s15 =	simm.s32 @!p0 $0x0;
	s17 =	smul.u32 $0x10200, s17  }
0x22: {  	p2 =	por $0x1, $0x1;
	[sflag:s4] =	ssyncset.done $0x0;
	s16 =	smul.u32 $0x10200, s15  }
0x23: {  	s18 =	sshll.u32 s15, $0x10;
	[sflag:s4] =	ssyncadd.s32 $0xFFFFC000;
	s30 =	sshrl.u32 s17, $0x2  }
0x24: {  	s31 =	sshrl.u32 s18, $0x2;
	s18 =	simm.s32 $0x0;
	s16 =	sshrl.u32 s16, $0x2  }
0x25: {  	s15 =	sor.u32 $0x8000, s30;
	s17 =	sadd.s32 $0x20, s31;
	s16 =	sor.u32 $0x8000, s16  }
.LBB1_3:
0x26: {  	s19 =	sshll.u32 s18, $0xD  }
0x27: {  	s19 =	sand.u32 $0x3FFFE000, s19  }
0x28: {  	s21 =	sadd.s32 s19, s17  }
0x29: {  	s31 =	smul.u32 $0x8100, s18;
	v3 =	vld [tilespmem:s21+$0x10]  }
0x2a: {  	v1 =	vld [tilespmem:s21+$0xFFFFFFF0]  }
0x2b: {  	s18 =	sshra.s32 s31, $0x2;
	v0 =	vld [tilespmem:s21+$0x0]  }
0x2c: {  	s18 =	sadd.s32 s18, s16;
	v2 =	vld [tilespmem:s21+$0xFFFFFFE0]  }
0x2d: {  	s19 =	sadd.s32 $0x0, s18  }
0x2e: {  	p1 =	por p2, p2;
	s20 =	simm.s32 $0x4;
	s21 =	sadd.s32 $0x40, s21;
	[tilespmem:s19+$0x1830 ss:$0x81] =	vst.msk $0xffff, v3  }
.LBB1_4:
0x2f: {  	v3 =	vld [tilespmem:s21+$0x10];
	p2 =	sne.s32 s20, $0x1FC;
	[tilespmem:s19+$0x810 ss:$0x81] =	vst.msk $0xffff, v1;
	s22 =	smov.u32 s20;
	s20 =	sadd.s32 $0x4, s20  }
.Ltmp3:
0x30: {  	v1 =	vld [tilespmem:s21+$0xFFFFFFF0];
	[tilespmem:s19+$0x1020 ss:$0x81] =	vst.msk $0xffff, v0;
	(pc) =	sbr.rel @p2 .LBB1_4-.Ltmp3, $4  }
0x31: {  	v0 =	vld [tilespmem:s21+$0x0];
	[tilespmem:s19+$0x0 ss:$0x81] =	vst.msk $0xffff, v2  }
0x32: {  	s19 =	sshra.s32 s22, $0x2;
	v2 =	vld [tilespmem:s21+$0xFFFFFFE0]  }
0x33: {  	s19 =	sadd.s32 s19, s18  }
0x34: {  	s21 =	sadd.s32 $0x40, s21;
	[tilespmem:s19+$0x1830 ss:$0x81] =	vst.msk $0xffff, v3  }
.Ltmp4:
0x35: {  	(pc) =	sbr.rel @p1 .LBB1_3-.Ltmp4, $4  }
0x36: {  	_ = 	snop  }
0x37: {  	[tilespmem:s19+$0x810 ss:$0x81] =	vst.msk $0xffff, v1  }
0x38: {  	[tilespmem:s19+$0x1020 ss:$0x81] =	vst.msk $0xffff, v0  }
0x39: {  	s18 =	simm.s32 $0x1;
	p2 =	por $0x0, $0x0;
	[tilespmem:s19+$0x0 ss:$0x81] =	vst.msk $0xffff, v2  }
.Ltmp5:
0x3a: {  	(pc) =	sbr.rel .LBB1_7-.Ltmp5, $4  }
0x3b: {  	s14 =	sshll.u32 s14, $0xF  }
0x3c: {  	s14 =	sadd.s32 s3, s14  }
0x3d: {  	s13 =	sadd.s32 s13, s14  }
0x3e: {  	[hbm4b:s13+s9] =	stream.strided.scatter [tilespmem:s15], [sflag:$0x2], $0x4000, s10, s9, $0x20;
	[tilespmem:$0x10100] =	vst v63  }
.LBB1_8:
0x3f: {  	_ =	sfence.sel $0x180000  }
0x40: {  	s2 =	simm.s32 $0x1;
	[bflag:$0x0] =	sbarrier.arrive $0xFFFF  }
0x41: {  	s31 =	simm.s32 $0x2;
	[sflag:s2] =	ssyncpa.u1 $0x1  }
0x42: {  	[sflag:s31] =	ssyncpa.u1 $0x1  }
0x43: {  	p0 =	sne.s32 s0, $0x0;
	_ =	strace $0x9000004A  }
0x44: {  	s0 =	sadd.s32 @!p0 $0x100000, s1;
	[bflag:$0x2] =	sbarrier.arrive $0xFFFF  }
0x45: {  	[sflag:s0] =	ssyncadd.tile.s32 @!p0 $0x1;
	_ =	shalt  }
.Lfunc_end1:
_tile_overlayer_lowered:
.L_overlay_start_2:
0x46: {  	(tag) =	ssettag $0x2  }
0x47: {  	s0 =	rddreg [dreg:$0x0];
	s2 =	stileid.u32  }
0x48: {  	s1 =	rddreg [dreg:$0x1];
	p0 =	sne.s32 s2, $0x0  }
0x49: {  	s3 =	rddreg [dreg:$0x2];
	[bflag:$0x3] =	sbarrier.arrive $0xFFFF;
	s2 =	simm.s32 @!p0 $0x1C01  }
0x4a: {  	[timem:s3], [sflag:s2] =	dma.local @!p0 [hbm:s0], s1  }
0x4b: {  	s0 =	simm.s32 @!p0 $0x1  }
0x4c: {  	_ =	swait.ge @!p0 [sflag:s0], s1  }
0x4d: {  	s1 =	ssub.s32 @!p0 $0x0, s1;
	[sflag:s0] =	ssyncset.done @!p0 $0x0  }
0x4e: {  	[sflag:s0] =	ssyncadd.s32 @!p0 s1  }
0x4f: {  	[bflag:$0x3] =	sbarrier.arrive $0xFFFF  }
0x50: {  	_ =	shalt  }

</sc_bundles>
